<compile_context>
chip_gen: v7x
topology: tpu7x:2x2x1
jax: 0.10.2.dev20260603
libtpu: 0.0.44.dev20260713+nightly
codegen_flags: <defaults>
</compile_context>

<pallas_src>
import jax
import jax.numpy as jnp
from jax import lax
from jax.experimental import pallas as pl
from jax.experimental.pallas import tpu as pltpu
from jax.experimental.pallas import tpu_sc as plsc

_N = 10000
_E = 320000
_D = 128
_NC = 2
_NS = 16
_NW = _NC * _NS
_EPW = _E // _NW
_C = 80
_CH = _EPW // _C
_ZR = 80
_ZB = 16
_ZCH = _N // _ZR
_ZPT = 8


def _sc_body(x_hbm, src_hbm, dst_hbm, acc_hbm, deg_hbm, src_v, dst_v, msg0_v,
             msg1_v, zbuf_v, ones_v, zdeg_v, acc_sp, deg_sp, sem0, sem1):
    cid = lax.axis_index("c")
    sid = lax.axis_index("s")
    wid = sid * _NC + cid

    pltpu.sync_copy(src_hbm.at[pl.ds(wid * _EPW, _EPW)], src_v)
    pltpu.sync_copy(dst_hbm.at[wid], dst_v)

    @pl.loop(0, _ZB)
    def _zrow(r):
        @pl.loop(0, _D // 16)
        def _zcol(c):
            zbuf_v[r, pl.ds(c * 16, 16)] = jnp.zeros((16,), jnp.float32)

    @pl.loop(0, _C // 16)
    def _fill(i):
        ones_v[pl.ds(i * 16, 16)] = jnp.ones((16,), jnp.float32)
        zdeg_v[pl.ds(i * 16, 16)] = jnp.zeros((16,), jnp.float32)

    @pl.loop(0, _ZPT)
    def _zcopy(k):
        ck = sid * _ZPT + k

        @pl.when(ck < _ZCH)
        def _():
            @pl.loop(0, _ZR // _ZB)
            def _zsub(m):
                pltpu.sync_copy(
                    zbuf_v, acc_sp.at[pl.ds(ck * _ZR + m * _ZB, _ZB)])

            pltpu.sync_copy(zdeg_v, deg_sp.at[pl.ds(ck * _ZR, _ZR)])

    plsc.subcore_barrier()

    def _gather(chunk, buf, sem):
        return pltpu.async_copy(
            x_hbm.at[src_v.at[pl.ds(chunk * _C, _C)]], buf, sem)

    _gather(0, msg0_v, sem0)
    _gather(1, msg1_v, sem1)

    @pl.loop(0, _CH, step=2)
    def _step(j):
        for b, (buf, sem) in enumerate(((msg0_v, sem0), (msg1_v, sem1))):
            chunk = j + b

            @pl.when(chunk < _CH)
            def _():
                pltpu.make_async_copy(
                    x_hbm.at[src_v.at[pl.ds(chunk * _C, _C)]], buf,
                    sem).wait()
                pltpu.sync_copy(buf, acc_sp.at[dst_v.at[chunk]], add=True)
                pltpu.sync_copy(ones_v, deg_sp.at[dst_v.at[chunk]], add=True)

                @pl.when(chunk + 2 < _CH)
                def _():
                    _gather(chunk + 2, buf, sem)

    plsc.subcore_barrier()

    @pl.loop(0, _ZPT)
    def _ocopy(k):
        ck = sid * _ZPT + k

        @pl.when(ck < _ZCH)
        def _():
            pltpu.sync_copy(acc_sp.at[pl.ds(ck * _ZR, _ZR)],
                            acc_hbm.at[cid, pl.ds(ck * _ZR, _ZR)])
            pltpu.sync_copy(deg_sp.at[pl.ds(ck * _ZR, _ZR)], zdeg_v)
            pltpu.sync_copy(zdeg_v,
                            deg_hbm.at[pl.ds(cid * _N + ck * _ZR, _ZR)])


def _sc_aggregate(x, src, dst3d):
    mesh = plsc.VectorSubcoreMesh(core_axis_name="c", subcore_axis_name="s")
    f = pl.kernel(
        _sc_body,
        out_type=[
            jax.ShapeDtypeStruct((_NC, _N, _D), jnp.float32),
            jax.ShapeDtypeStruct((_NC * _N,), jnp.float32),
        ],
        mesh=mesh,
        scratch_types=[
            pltpu.VMEM((_EPW,), jnp.int32),
            pltpu.VMEM((_CH, _C), jnp.int32),
            pltpu.VMEM((_C, _D), jnp.float32),
            pltpu.VMEM((_C, _D), jnp.float32),
            pltpu.VMEM((_ZB, _D), jnp.float32),
            pltpu.VMEM((_C,), jnp.float32),
            pltpu.VMEM((_ZR,), jnp.float32),
            pltpu.VMEM_SHARED((_N, _D), jnp.float32),
            pltpu.VMEM_SHARED((_N,), jnp.float32),
            pltpu.SemaphoreType.DMA,
            pltpu.SemaphoreType.DMA,
        ],
    )
    return f(x, src, dst3d)


def _tc_body(x_ref, a_ref, d_ref, w_ref, b_ref, o_ref):
    a = a_ref[0] + a_ref[1]
    deg = jnp.maximum(d_ref[0] + d_ref[1], 1.0)
    mean = a / deg
    o_ref[...] = (
        jnp.dot(x_ref[...], w_ref[0], preferred_element_type=jnp.float32)
        + jnp.dot(mean, w_ref[1], preferred_element_type=jnp.float32)
        + b_ref[...])


def _tc_combine(x, accp, degp, W2, b2):
    bm = 1000
    return pl.pallas_call(
        _tc_body,
        grid=(_N // bm,),
        in_specs=[
            pl.BlockSpec((bm, _D), lambda i: (i, 0)),
            pl.BlockSpec((_NC, bm, _D), lambda i: (0, i, 0)),
            pl.BlockSpec((_NC, bm, 1), lambda i: (0, i, 0)),
            pl.BlockSpec((2, _D, _D), lambda i: (0, 0, 0)),
            pl.BlockSpec((1, _D), lambda i: (0, 0)),
        ],
        out_specs=pl.BlockSpec((bm, _D), lambda i: (i, 0)),
        out_shape=jax.ShapeDtypeStruct((_N, _D), jnp.float32),
    )(x, accp, degp, W2, b2)


@jax.jit
def kernel(encodings, subnetwork, W, b):
    src = subnetwork[0].astype(jnp.int32)
    dst = subnetwork[1].astype(jnp.int32)
    dst3d = dst.reshape(_NW, _CH, _C)
    accp, degp = _sc_aggregate(encodings, src, dst3d)
    return accp

# --- scband reference (transcript-rebuilt; emitter-appended) ---
"""Pipeline reference for scband-graph-sage-10247791969043 (READ-ONLY COPY).

The authoritative reference and input builder live on the scoring server;
editing this copy changes nothing except your own understanding.
"""

import jax, jax.numpy as jnp
import numpy as np

N_NODES = 10000
N_EDGES = 320000
D_IN = 128
D_OUT = 128

def setup_inputs(seed: int = 0) -> dict:
    key = jax.random.key(seed)
    k1, k2, k3, k4 = jax.random.split(key, 4)
    encodings = jax.random.normal(k1, (N_NODES, D_IN), dtype=jnp.float32)
    subnetwork = jax.random.randint(k2, (2, N_EDGES), 0, N_NODES, dtype=jnp.int64)
    # SAGEConv with concat=True (legacy PyG): linear over [x || mean_aggr(x)]
    W = jax.random.normal(k3, (2 * D_IN, D_OUT), dtype=jnp.float32) * (1.0 / np.sqrt(2 * D_IN))
    b = jnp.zeros((D_OUT,), dtype=jnp.float32)
    return {"encodings": encodings, "subnetwork": subnetwork, "W": W, "b": b}

def reference(encodings, subnetwork, W, b):
    # message passing: gather source node features, mean-aggregate at destination
    src = subnetwork[0]
    dst = subnetwork[1]
    msgs = jnp.take(encodings, src, axis=0)                      # gather [E, D_IN]
    agg_sum = jax.ops.segment_sum(msgs, dst, num_segments=N_NODES)  # scatter-add
    deg = jax.ops.segment_sum(jnp.ones((msgs.shape[0],), dtype=encodings.dtype), dst, num_segments=N_NODES)
    deg = jnp.clip(deg, 1.0, None)
    agg_mean = agg_sum / deg[:, None]
    # concat=True: out = [x || aggr] @ W + b
    h = jnp.concatenate([encodings, agg_mean], axis=-1)
    out = h @ W + b
    return out

if __name__ == "__main__":
    import jax
    _d = setup_inputs()
    print(jax.jit(kernel)(*tuple(_d.values())))

</pallas_src>

<mosaic_0001>
#map = affine_map<(d0, d1) -> (0, 0)>
#map1 = affine_map<(d0, d1) -> (0)>
#map2 = affine_map<(d0, d1) -> (0, 0, 0)>
module attributes {stable_mosaic.version = 14 : i64} {
  func.func @_sc_body(%arg0: i32, %arg1: i32, %arg2: memref<10000x128xf32, #tpu.memory_space<hbm>>, %arg3: memref<320000xi32, #tpu.memory_space<hbm>>, %arg4: memref<32x125x80xi32, #tpu.memory_space<hbm>>, %arg5: memref<2x10000x128xf32, #tpu.memory_space<hbm>>, %arg6: memref<20000xf32, #tpu.memory_space<hbm>>, %arg7: memref<10000xi32, #tpu.memory_space<vmem>>, %arg8: memref<125x80xi32, #tpu.memory_space<vmem>>, %arg9: memref<80x128xf32, #tpu.memory_space<vmem>>, %arg10: memref<80x128xf32, #tpu.memory_space<vmem>>, %arg11: memref<16x128xf32, #tpu.memory_space<vmem>>, %arg12: memref<80xf32, #tpu.memory_space<vmem>>, %arg13: memref<80xf32, #tpu.memory_space<vmem>>, %arg14: memref<10000x128xf32, #tpu.memory_space<vmem_shared>>, %arg15: memref<10000xf32, #tpu.memory_space<vmem_shared>>, %arg16: memref<!tpu.dma_semaphore, #tpu.memory_space<semaphore_mem>>, %arg17: memref<!tpu.dma_semaphore, #tpu.memory_space<semaphore_mem>>) attributes {dimension_semantics = [#tpu.dimension_semantics<core_parallel>, #tpu.dimension_semantics<subcore_parallel>], iteration_bounds = array<i64: 2, 16>, scalar_prefetch = 0 : i64, scratch_operands = 11 : i64, tpu.core_type = #tpu.core_type<sc_vector_subcore>, window_params = [{transform_indices = #map}, {transform_indices = #map1}, {transform_indices = #map2}, {transform_indices = #map2}, {transform_indices = #map1}]} {
    %mul3A = arith.constant 2 : i32
    %mul3A_0 = arith.muli %arg1, %mul3A : i32
    %add3A = arith.addi %mul3A_0, %arg0 : i32
    %mul3A_1 = arith.constant 10000 : i32
    %mul3A_2 = arith.muli %add3A, %mul3A_1 : i32
    "tpu.region"() ({
      %run_scoped3A = tpu.sem_alloc : memref<!tpu.dma_semaphore, #tpu.memory_space<semaphore_mem>>
      %dma_start3A_37 = tpu.memref_slice %arg3[%mul3A_2] : memref<320000xi32, #tpu.memory_space<hbm>> -> memref<10000xi32, #tpu.memory_space<hbm>>
      %dma_start3A_38 = tpu.memref_slice %arg3[%mul3A_2] : memref<320000xi32, #tpu.memory_space<hbm>> -> memref<10000xi32, #tpu.memory_space<hbm>>
      tpu.enqueue_dma source(%dma_start3A_38 : memref<10000xi32, #tpu.memory_space<hbm>>) target(%arg7 : memref<10000xi32, #tpu.memory_space<vmem>>) target_semaphore(%run_scoped3A : memref<!tpu.dma_semaphore, #tpu.memory_space<semaphore_mem>>)
      %dma_wait3A = tpu.memref_slice %arg3[%mul3A_2] : memref<320000xi32, #tpu.memory_space<hbm>> -> memref<10000xi32, #tpu.memory_space<hbm>>
      %dma_wait3A_39 = tpu.memref_slice %arg3[%mul3A_2] : memref<320000xi32, #tpu.memory_space<hbm>> -> memref<10000xi32, #tpu.memory_space<hbm>>
      tpu.wait_dma2 semaphore(%run_scoped3A : memref<!tpu.dma_semaphore, #tpu.memory_space<semaphore_mem>>) src(%dma_wait3A_39 : memref<10000xi32, #tpu.memory_space<hbm>>) dst(%arg7 : memref<10000xi32, #tpu.memory_space<vmem>>)
      tpu.yield
    }) : () -> ()
    "tpu.region"() ({
      %run_scoped3A = tpu.sem_alloc : memref<!tpu.dma_semaphore, #tpu.memory_space<semaphore_mem>>
      %dma_start3A_37 = arith.constant 0 : i32
      %dma_start3A_38 = arith.constant 0 : i32
      %dma_start3A_39 = tpu.memref_slice %arg4[%add3A, %dma_start3A_37, %dma_start3A_38] : memref<32x125x80xi32, #tpu.memory_space<hbm>> -> memref<1x125x80xi32, #tpu.memory_space<hbm>>
      %dma_start3A_40 = tpu.memref_squeeze %dma_start3A_39 : memref<1x125x80xi32, #tpu.memory_space<hbm>> -> memref<125x80xi32, #tpu.memory_space<hbm>>
      %dma_start3A_41 = arith.constant 0 : i32
      %dma_start3A_42 = arith.constant 0 : i32
      %dma_start3A_43 = tpu.memref_slice %arg4[%add3A, %dma_start3A_41, %dma_start3A_42] : memref<32x125x80xi32, #tpu.memory_space<hbm>> -> memref<1x125x80xi32, #tpu.memory_space<hbm>>
      %dma_start3A_44 = tpu.memref_squeeze %dma_start3A_43 : memref<1x125x80xi32, #tpu.memory_space<hbm>> -> memref<125x80xi32, #tpu.memory_space<hbm>>
      tpu.enqueue_dma source(%dma_start3A_44 : memref<125x80xi32, #tpu.memory_space<hbm>>) target(%arg8 : memref<125x80xi32, #tpu.memory_space<vmem>>) target_semaphore(%run_scoped3A : memref<!tpu.dma_semaphore, #tpu.memory_space<semaphore_mem>>)
      %dma_wait3A = arith.constant 0 : i32
      %dma_wait3A_45 = arith.constant 0 : i32
      %dma_wait3A_46 = tpu.memref_slice %arg4[%add3A, %dma_wait3A, %dma_wait3A_45] : memref<32x125x80xi32, #tpu.memory_space<hbm>> -> memref<1x125x80xi32, #tpu.memory_space<hbm>>
      %dma_wait3A_47 = tpu.memref_squeeze %dma_wait3A_46 : memref<1x125x80xi32, #tpu.memory_space<hbm>> -> memref<125x80xi32, #tpu.memory_space<hbm>>
      %dma_wait3A_48 = arith.constant 0 : i32
      %dma_wait3A_49 = arith.constant 0 : i32
      %dma_wait3A_50 = tpu.memref_slice %arg4[%add3A, %dma_wait3A_48, %dma_wait3A_49] : memref<32x125x80xi32, #tpu.memory_space<hbm>> -> memref<1x125x80xi32, #tpu.memory_space<hbm>>
      %dma_wait3A_51 = tpu.memref_squeeze %dma_wait3A_50 : memref<1x125x80xi32, #tpu.memory_space<hbm>> -> memref<125x80xi32, #tpu.memory_space<hbm>>
      tpu.wait_dma2 semaphore(%run_scoped3A : memref<!tpu.dma_semaphore, #tpu.memory_space<semaphore_mem>>) src(%dma_wait3A_51 : memref<125x80xi32, #tpu.memory_space<hbm>>) dst(%arg8 : memref<125x80xi32, #tpu.memory_space<vmem>>)
      tpu.yield
    }) : () -> ()
    %scan3A = arith.constant 0 : i32
    %scan3A_3 = arith.constant 16 : i32
    %scan3A_4 = arith.addi %scan3A, %scan3A_3 : i32
    %scan3A_5 = arith.constant 1 : i32
    scf.for %scan3A_37 = %scan3A to %scan3A_4 step %scan3A_5  : i32 {
      %mul3A_38 = arith.constant 1 : i32
      %mul3A_39 = arith.muli %scan3A_37, %mul3A_38 : i32
      %add3A_40 = arith.constant 0 : i32
      %add3A_41 = arith.addi %add3A_40, %mul3A_39 : i32
      %scan3A_42 = arith.constant 0 : i32
      %scan3A_43 = arith.constant 8 : i32
      %scan3A_44 = arith.addi %scan3A_42, %scan3A_43 : i32
      %scan3A_45 = arith.constant 1 : i32
      scf.for %scan3A_47 = %scan3A_42 to %scan3A_44 step %scan3A_45  : i32 {
        %mul3A_48 = arith.constant 1 : i32
        %mul3A_49 = arith.muli %scan3A_47, %mul3A_48 : i32
        %add3A_50 = arith.constant 0 : i32
        %add3A_51 = arith.addi %add3A_50, %mul3A_49 : i32
        %broadcast_in_dim3A = arith.constant 0.000000e+00 : f32
        %broadcast_in_dim3A_52 = vector.broadcast %broadcast_in_dim3A : f32 to vector<16xf32>
        %mul3A_53 = arith.constant 16 : i32
        %mul3A_54 = arith.muli %add3A_51, %mul3A_53 : i32
        %swap3A = arith.index_cast %add3A_41 : i32 to index
        %swap3A_55 = arith.index_cast %mul3A_54 : i32 to index
        %swap3A_56 = tpu.vector_load %arg11[%swap3A, %swap3A_55] {strides = array<i32>} : memref<16x128xf32, #tpu.memory_space<vmem>>, vector<1x16xf32>,
        %swap3A_57 = vector.shape_cast %swap3A_56 : vector<1x16xf32> to vector<16xf32>
        %swap3A_58 = vector.shape_cast %broadcast_in_dim3A_52 : vector<16xf32> to vector<1x16xf32>
        tpu.vector_store %arg11[%swap3A, %swap3A_55], %swap3A_58 {strides = array<i32>} : memref<16x128xf32, #tpu.memory_space<vmem>>, vector<1x16xf32>,
      }
      %scan3A_46 = arith.constant 8 : i32
    }
    %scan3A_6 = arith.constant 16 : i32
    %scan3A_7 = arith.constant 0 : i32
    %scan3A_8 = arith.constant 5 : i32
    %scan3A_9 = arith.addi %scan3A_7, %scan3A_8 : i32
    %scan3A_10 = arith.constant 1 : i32
    scf.for %scan3A_37 = %scan3A_7 to %scan3A_9 step %scan3A_10  : i32 {
      %mul3A_38 = arith.constant 1 : i32
      %mul3A_39 = arith.muli %scan3A_37, %mul3A_38 : i32
      %add3A_40 = arith.constant 0 : i32
      %add3A_41 = arith.addi %add3A_40, %mul3A_39 : i32
      %broadcast_in_dim3A = arith.constant 1.000000e+00 : f32
      %broadcast_in_dim3A_42 = vector.broadcast %broadcast_in_dim3A : f32 to vector<16xf32>
      %mul3A_43 = arith.constant 16 : i32
      %mul3A_44 = arith.muli %add3A_41, %mul3A_43 : i32
      %swap3A = arith.index_cast %mul3A_44 : i32 to index
      %swap3A_45 = tpu.vector_load %arg12[%swap3A] {strides = array<i32>} : memref<80xf32, #tpu.memory_space<vmem>>, vector<16xf32>,
      %swap3A_46 = vector.shape_cast %swap3A_45 : vector<16xf32> to vector<16xf32>
      %swap3A_47 = vector.shape_cast %broadcast_in_dim3A_42 : vector<16xf32> to vector<16xf32>
      tpu.vector_store %arg12[%swap3A], %swap3A_47 {strides = array<i32>} : memref<80xf32, #tpu.memory_space<vmem>>, vector<16xf32>,
      %broadcast_in_dim3A_48 = arith.constant 0.000000e+00 : f32
      %broadcast_in_dim3A_49 = vector.broadcast %broadcast_in_dim3A_48 : f32 to vector<16xf32>
      %mul3A_50 = arith.constant 16 : i32
      %mul3A_51 = arith.muli %add3A_41, %mul3A_50 : i32
      %swap3A_52 = arith.index_cast %mul3A_51 : i32 to index
      %swap3A_53 = tpu.vector_load %arg13[%swap3A_52] {strides = array<i32>} : memref<80xf32, #tpu.memory_space<vmem>>, vector<16xf32>,
      %swap3A_54 = vector.shape_cast %swap3A_53 : vector<16xf32> to vector<16xf32>
      %swap3A_55 = vector.shape_cast %broadcast_in_dim3A_49 : vector<16xf32> to vector<16xf32>
      tpu.vector_store %arg13[%swap3A_52], %swap3A_55 {strides = array<i32>} : memref<80xf32, #tpu.memory_space<vmem>>, vector<16xf32>,
    }
    %scan3A_11 = arith.constant 5 : i32
    %scan3A_12 = arith.constant 0 : i32
    %scan3A_13 = arith.constant 8 : i32
    %scan3A_14 = arith.addi %scan3A_12, %scan3A_13 : i32
    %scan3A_15 = arith.constant 1 : i32
    scf.for %scan3A_37 = %scan3A_12 to %scan3A_14 step %scan3A_15  : i32 {
      %mul3A_38 = arith.constant 1 : i32
      %mul3A_39 = arith.muli %scan3A_37, %mul3A_38 : i32
      %add3A_40 = arith.constant 0 : i32
      %add3A_41 = arith.addi %add3A_40, %mul3A_39 : i32
      %mul3A_42 = arith.constant 8 : i32
      %mul3A_43 = arith.muli %arg1, %mul3A_42 : i32
      %add3A_44 = arith.addi %mul3A_43, %add3A_41 : i32
      %lt3A = arith.constant 125 : i32
      %lt3A_45 = arith.cmpi slt, %add3A_44, %lt3A : i32
      %convert_element_type3A = arith.extui %lt3A_45 : i1 to i32
      %cond3A = arith.constant 0 : i32
      %cond3A_46 = arith.cmpi ne, %convert_element_type3A, %cond3A : i32
      scf.if %cond3A_46 {
        %scan3A_47 = arith.constant 0 : i32
        %scan3A_48 = arith.constant 5 : i32
        %scan3A_49 = arith.addi %scan3A_47, %scan3A_48 : i32
        %scan3A_50 = arith.constant 1 : i32
        scf.for %scan3A_54 = %scan3A_47 to %scan3A_49 step %scan3A_50  : i32 {
          %mul3A_55 = arith.constant 1 : i32
          %mul3A_56 = arith.muli %scan3A_54, %mul3A_55 : i32
          %add3A_57 = arith.constant 0 : i32
          %add3A_58 = arith.addi %add3A_57, %mul3A_56 : i32
          %mul3A_59 = arith.constant 80 : i32
          %mul3A_60 = arith.muli %add3A_44, %mul3A_59 : i32
          %mul3A_61 = arith.constant 16 : i32
          %mul3A_62 = arith.muli %add3A_58, %mul3A_61 : i32
          %add3A_63 = arith.addi %mul3A_60, %mul3A_62 : i32
          "tpu.region"() ({
            %run_scoped3A = tpu.sem_alloc : memref<!tpu.dma_semaphore, #tpu.memory_space<semaphore_mem>>
            %dma_start3A_64 = arith.constant 0 : i32
            %dma_start3A_65 = tpu.memref_slice %arg14[%add3A_63, %dma_start3A_64] : memref<10000x128xf32, #tpu.memory_space<vmem_shared>> -> memref<16x128xf32, #tpu.memory_space<vmem_shared>>
            %dma_start3A_66 = arith.constant 0 : i32
            %dma_start3A_67 = tpu.memref_slice %arg14[%add3A_63, %dma_start3A_66] : memref<10000x128xf32, #tpu.memory_space<vmem_shared>> -> memref<16x128xf32, #tpu.memory_space<vmem_shared>>
            tpu.enqueue_dma source(%arg11 : memref<16x128xf32, #tpu.memory_space<vmem>>) target(%dma_start3A_67 : memref<16x128xf32, #tpu.memory_space<vmem_shared>>) target_semaphore(%run_scoped3A : memref<!tpu.dma_semaphore, #tpu.memory_space<semaphore_mem>>)
            %dma_wait3A = arith.constant 0 : i32
            %dma_wait3A_68 = tpu.memref_slice %arg14[%add3A_63, %dma_wait3A] : memref<10000x128xf32, #tpu.memory_space<vmem_shared>> -> memref<16x128xf32, #tpu.memory_space<vmem_shared>>
            %dma_wait3A_69 = arith.constant 0 : i32
            %dma_wait3A_70 = tpu.memref_slice %arg14[%add3A_63, %dma_wait3A_69] : memref<10000x128xf32, #tpu.memory_space<vmem_shared>> -> memref<16x128xf32, #tpu.memory_space<vmem_shared>>
            tpu.wait_dma2 semaphore(%run_scoped3A : memref<!tpu.dma_semaphore, #tpu.memory_space<semaphore_mem>>) src(%arg11 : memref<16x128xf32, #tpu.memory_space<vmem>>) dst(%dma_wait3A_70 : memref<16x128xf32, #tpu.memory_space<vmem_shared>>)
            tpu.yield
          }) : () -> ()
        }
        %scan3A_51 = arith.constant 5 : i32
        %mul3A_52 = arith.constant 80 : i32
        %mul3A_53 = arith.muli %add3A_44, %mul3A_52 : i32
        "tpu.region"() ({
          %run_scoped3A = tpu.sem_alloc : memref<!tpu.dma_semaphore, #tpu.memory_space<semaphore_mem>>
          %dma_start3A_54 = tpu.memref_slice %arg15[%mul3A_53] : memref<10000xf32, #tpu.memory_space<vmem_shared>> -> memref<80xf32, #tpu.memory_space<vmem_shared>>
          %dma_start3A_55 = tpu.memref_slice %arg15[%mul3A_53] : memref<10000xf32, #tpu.memory_space<vmem_shared>> -> memref<80xf32, #tpu.memory_space<vmem_shared>>
          tpu.enqueue_dma source(%arg13 : memref<80xf32, #tpu.memory_space<vmem>>) target(%dma_start3A_55 : memref<80xf32, #tpu.memory_space<vmem_shared>>) target_semaphore(%run_scoped3A : memref<!tpu.dma_semaphore, #tpu.memory_space<semaphore_mem>>)
          %dma_wait3A = tpu.memref_slice %arg15[%mul3A_53] : memref<10000xf32, #tpu.memory_space<vmem_shared>> -> memref<80xf32, #tpu.memory_space<vmem_shared>>
          %dma_wait3A_56 = tpu.memref_slice %arg15[%mul3A_53] : memref<10000xf32, #tpu.memory_space<vmem_shared>> -> memref<80xf32, #tpu.memory_space<vmem_shared>>
          tpu.wait_dma2 semaphore(%run_scoped3A : memref<!tpu.dma_semaphore, #tpu.memory_space<semaphore_mem>>) src(%arg13 : memref<80xf32, #tpu.memory_space<vmem>>) dst(%dma_wait3A_56 : memref<80xf32, #tpu.memory_space<vmem_shared>>)
          tpu.yield
        }) : () -> ()
      } else {
      }
    }
    %scan3A_16 = arith.constant 8 : i32
    %barrier3A = arith.constant 0 : index
    tpu.barrier barrier_id(%barrier3A)
    %dma_start3A = arith.constant 0 : i32
    %dma_start3A_17 = tpu.memref_slice %arg7[%dma_start3A] : memref<10000xi32, #tpu.memory_space<vmem>> -> memref<80xi32, #tpu.memory_space<vmem>>
    %dma_start3A_18 = arith.constant 0 : i32
    %dma_start3A_19 = arith.constant 0 : i32
    %dma_start3A_20 = tpu.memref_slice %arg2[%dma_start3A_18, %dma_start3A_19] : memref<10000x128xf32, #tpu.memory_space<hbm>> -> memref<10000x128xf32, #tpu.memory_space<hbm>>
    tpu.enqueue_indirect_dma source(%dma_start3A_20 : memref<10000x128xf32, #tpu.memory_space<hbm>>) target(%arg9 : memref<80x128xf32, #tpu.memory_space<vmem>>) offsets(%dma_start3A_17 : memref<80xi32, #tpu.memory_space<vmem>>) semaphore(%arg16 : memref<!tpu.dma_semaphore, #tpu.memory_space<semaphore_mem>>)
    %dma_start3A_21 = arith.constant 80 : i32
    %dma_start3A_22 = tpu.memref_slice %arg7[%dma_start3A_21] : memref<10000xi32, #tpu.memory_space<vmem>> -> memref<80xi32, #tpu.memory_space<vmem>>
    %dma_start3A_23 = arith.constant 0 : i32
    %dma_start3A_24 = arith.constant 0 : i32
    %dma_start3A_25 = tpu.memref_slice %arg2[%dma_start3A_23, %dma_start3A_24] : memref<10000x128xf32, #tpu.memory_space<hbm>> -> memref<10000x128xf32, #tpu.memory_space<hbm>>
    tpu.enqueue_indirect_dma source(%dma_start3A_25 : memref<10000x128xf32, #tpu.memory_space<hbm>>) target(%arg10 : memref<80x128xf32, #tpu.memory_space<vmem>>) offsets(%dma_start3A_22 : memref<80xi32, #tpu.memory_space<vmem>>) semaphore(%arg17 : memref<!tpu.dma_semaphore, #tpu.memory_space<semaphore_mem>>)
    %scan3A_26 = arith.constant 0 : i32
    %scan3A_27 = arith.constant 63 : i32
    %scan3A_28 = arith.addi %scan3A_26, %scan3A_27 : i32
    %scan3A_29 = arith.constant 1 : i32
    scf.for %scan3A_37 = %scan3A_26 to %scan3A_28 step %scan3A_29  : i32 {
      %mul3A_38 = arith.constant 2 : i32
      %mul3A_39 = arith.muli %scan3A_37, %mul3A_38 : i32
      %add3A_40 = arith.constant 0 : i32
      %add3A_41 = arith.addi %add3A_40, %mul3A_39 : i32
      %add3A_42 = arith.constant 0 : i32
      %add3A_43 = arith.addi %add3A_41, %add3A_42 : i32
      %lt3A = arith.constant 125 : i32
      %lt3A_44 = arith.cmpi slt, %add3A_43, %lt3A : i32
      %convert_element_type3A = arith.extui %lt3A_44 : i1 to i32
      %cond3A = arith.constant 0 : i32
      %cond3A_45 = arith.cmpi ne, %convert_element_type3A, %cond3A : i32
      scf.if %cond3A_45 {
        %mul3A_53 = arith.constant 80 : i32
        %mul3A_54 = arith.muli %add3A_43, %mul3A_53 : i32
        %dma_wait3A = tpu.memref_slice %arg7[%mul3A_54] : memref<10000xi32, #tpu.memory_space<vmem>> -> memref<80xi32, #tpu.memory_space<vmem>>
        %dma_wait3A_55 = arith.constant 0 : i32
        %dma_wait3A_56 = arith.constant 0 : i32
        %dma_wait3A_57 = tpu.memref_slice %arg2[%dma_wait3A_55, %dma_wait3A_56] : memref<10000x128xf32, #tpu.memory_space<hbm>> -> memref<10000x128xf32, #tpu.memory_space<hbm>>
        tpu.wait_indirect_dma semaphore(%arg16 : memref<!tpu.dma_semaphore, #tpu.memory_space<semaphore_mem>>) src(%dma_wait3A_57 : memref<10000x128xf32, #tpu.memory_space<hbm>>) dst(%arg9 : memref<80x128xf32, #tpu.memory_space<vmem>>)
        "tpu.region"() ({
          %run_scoped3A = tpu.sem_alloc : memref<!tpu.dma_semaphore, #tpu.memory_space<semaphore_mem>>
          %dma_start3A_65 = arith.constant 0 : i32
          %dma_start3A_66 = tpu.memref_slice %arg8[%add3A_43, %dma_start3A_65] : memref<125x80xi32, #tpu.memory_space<vmem>> -> memref<1x80xi32, #tpu.memory_space<vmem>>
          %dma_start3A_67 = tpu.memref_squeeze %dma_start3A_66 : memref<1x80xi32, #tpu.memory_space<vmem>> -> memref<80xi32, #tpu.memory_space<vmem>>
          %dma_start3A_68 = arith.constant 0 : i32
          %dma_start3A_69 = arith.constant 0 : i32
          %dma_start3A_70 = tpu.memref_slice %arg14[%dma_start3A_68, %dma_start3A_69] : memref<10000x128xf32, #tpu.memory_space<vmem_shared>> -> memref<10000x128xf32, #tpu.memory_space<vmem_shared>>
          tpu.enqueue_indirect_dma source(%arg9 : memref<80x128xf32, #tpu.memory_space<vmem>>) target(%dma_start3A_70 : memref<10000x128xf32, #tpu.memory_space<vmem_shared>>) offsets(%dma_start3A_67 : memref<80xi32, #tpu.memory_space<vmem>>) semaphore(%run_scoped3A : memref<!tpu.dma_semaphore, #tpu.memory_space<semaphore_mem>>) {add = true}
          %dma_wait3A_71 = arith.constant 0 : i32
          %dma_wait3A_72 = tpu.memref_slice %arg8[%add3A_43, %dma_wait3A_71] : memref<125x80xi32, #tpu.memory_space<vmem>> -> memref<1x80xi32, #tpu.memory_space<vmem>>
          %dma_wait3A_73 = tpu.memref_squeeze %dma_wait3A_72 : memref<1x80xi32, #tpu.memory_space<vmem>> -> memref<80xi32, #tpu.memory_space<vmem>>
          %dma_wait3A_74 = arith.constant 0 : i32
          %dma_wait3A_75 = arith.constant 0 : i32
          %dma_wait3A_76 = tpu.memref_slice %arg14[%dma_wait3A_74, %dma_wait3A_75] : memref<10000x128xf32, #tpu.memory_space<vmem_shared>> -> memref<10000x128xf32, #tpu.memory_space<vmem_shared>>
          tpu.wait_indirect_dma semaphore(%run_scoped3A : memref<!tpu.dma_semaphore, #tpu.memory_space<semaphore_mem>>) src(%arg9 : memref<80x128xf32, #tpu.memory_space<vmem>>) dst(%dma_wait3A_76 : memref<10000x128xf32, #tpu.memory_space<vmem_shared>>)
          tpu.yield
        }) : () -> ()
        "tpu.region"() ({
          %run_scoped3A = tpu.sem_alloc : memref<!tpu.dma_semaphore, #tpu.memory_space<semaphore_mem>>
          %dma_start3A_65 = arith.constant 0 : i32
          %dma_start3A_66 = tpu.memref_slice %arg8[%add3A_43, %dma_start3A_65] : memref<125x80xi32, #tpu.memory_space<vmem>> -> memref<1x80xi32, #tpu.memory_space<vmem>>
          %dma_start3A_67 = tpu.memref_squeeze %dma_start3A_66 : memref<1x80xi32, #tpu.memory_space<vmem>> -> memref<80xi32, #tpu.memory_space<vmem>>
          %dma_start3A_68 = arith.constant 0 : i32
          %dma_start3A_69 = tpu.memref_slice %arg15[%dma_start3A_68] : memref<10000xf32, #tpu.memory_space<vmem_shared>> -> memref<10000xf32, #tpu.memory_space<vmem_shared>>
          tpu.enqueue_indirect_dma source(%arg12 : memref<80xf32, #tpu.memory_space<vmem>>) target(%dma_start3A_69 : memref<10000xf32, #tpu.memory_space<vmem_shared>>) offsets(%dma_start3A_67 : memref<80xi32, #tpu.memory_space<vmem>>) semaphore(%run_scoped3A : memref<!tpu.dma_semaphore, #tpu.memory_space<semaphore_mem>>) {add = true}
          %dma_wait3A_70 = arith.constant 0 : i32
          %dma_wait3A_71 = tpu.memref_slice %arg8[%add3A_43, %dma_wait3A_70] : memref<125x80xi32, #tpu.memory_space<vmem>> -> memref<1x80xi32, #tpu.memory_space<vmem>>
          %dma_wait3A_72 = tpu.memref_squeeze %dma_wait3A_71 : memref<1x80xi32, #tpu.memory_space<vmem>> -> memref<80xi32, #tpu.memory_space<vmem>>
          %dma_wait3A_73 = arith.constant 0 : i32
          %dma_wait3A_74 = tpu.memref_slice %arg15[%dma_wait3A_73] : memref<10000xf32, #tpu.memory_space<vmem_shared>> -> memref<10000xf32, #tpu.memory_space<vmem_shared>>
          tpu.wait_indirect_dma semaphore(%run_scoped3A : memref<!tpu.dma_semaphore, #tpu.memory_space<semaphore_mem>>) src(%arg12 : memref<80xf32, #tpu.memory_space<vmem>>) dst(%dma_wait3A_74 : memref<10000xf32, #tpu.memory_space<vmem_shared>>)
          tpu.yield
        }) : () -> ()
        %add3A_58 = arith.constant 2 : i32
        %add3A_59 = arith.addi %add3A_43, %add3A_58 : i32
        %lt3A_60 = arith.constant 125 : i32
        %lt3A_61 = arith.cmpi slt, %add3A_59, %lt3A_60 : i32
        %convert_element_type3A_62 = arith.extui %lt3A_61 : i1 to i32
        %cond3A_63 = arith.constant 0 : i32
        %cond3A_64 = arith.cmpi ne, %convert_element_type3A_62, %cond3A_63 : i32
        scf.if %cond3A_64 {
          %add3A_65 = arith.constant 2 : i32
          %add3A_66 = arith.addi %add3A_43, %add3A_65 : i32
          %mul3A_67 = arith.constant 80 : i32
          %mul3A_68 = arith.muli %add3A_66, %mul3A_67 : i32
          %dma_start3A_69 = tpu.memref_slice %arg7[%mul3A_68] : memref<10000xi32, #tpu.memory_space<vmem>> -> memref<80xi32, #tpu.memory_space<vmem>>
          %dma_start3A_70 = arith.constant 0 : i32
          %dma_start3A_71 = arith.constant 0 : i32
          %dma_start3A_72 = tpu.memref_slice %arg2[%dma_start3A_70, %dma_start3A_71] : memref<10000x128xf32, #tpu.memory_space<hbm>> -> memref<10000x128xf32, #tpu.memory_space<hbm>>
          tpu.enqueue_indirect_dma source(%dma_start3A_72 : memref<10000x128xf32, #tpu.memory_space<hbm>>) target(%arg9 : memref<80x128xf32, #tpu.memory_space<vmem>>) offsets(%dma_start3A_69 : memref<80xi32, #tpu.memory_space<vmem>>) semaphore(%arg16 : memref<!tpu.dma_semaphore, #tpu.memory_space<semaphore_mem>>)
        } else {
        }
      } else {
      }
      %add3A_46 = arith.constant 1 : i32
      %add3A_47 = arith.addi %add3A_41, %add3A_46 : i32
      %lt3A_48 = arith.constant 125 : i32
      %lt3A_49 = arith.cmpi slt, %add3A_47, %lt3A_48 : i32
      %convert_element_type3A_50 = arith.extui %lt3A_49 : i1 to i32
      %cond3A_51 = arith.constant 0 : i32
      %cond3A_52 = arith.cmpi ne, %convert_element_type3A_50, %cond3A_51 : i32
      scf.if %cond3A_52 {
        %mul3A_53 = arith.constant 80 : i32
        %mul3A_54 = arith.muli %add3A_47, %mul3A_53 : i32
        %dma_wait3A = tpu.memref_slice %arg7[%mul3A_54] : memref<10000xi32, #tpu.memory_space<vmem>> -> memref<80xi32, #tpu.memory_space<vmem>>
        %dma_wait3A_55 = arith.constant 0 : i32
        %dma_wait3A_56 = arith.constant 0 : i32
        %dma_wait3A_57 = tpu.memref_slice %arg2[%dma_wait3A_55, %dma_wait3A_56] : memref<10000x128xf32, #tpu.memory_space<hbm>> -> memref<10000x128xf32, #tpu.memory_space<hbm>>
        tpu.wait_indirect_dma semaphore(%arg17 : memref<!tpu.dma_semaphore, #tpu.memory_space<semaphore_mem>>) src(%dma_wait3A_57 : memref<10000x128xf32, #tpu.memory_space<hbm>>) dst(%arg10 : memref<80x128xf32, #tpu.memory_space<vmem>>)
        "tpu.region"() ({
          %run_scoped3A = tpu.sem_alloc : memref<!tpu.dma_semaphore, #tpu.memory_space<semaphore_mem>>
          %dma_start3A_65 = arith.constant 0 : i32
          %dma_start3A_66 = tpu.memref_slice %arg8[%add3A_47, %dma_start3A_65] : memref<125x80xi32, #tpu.memory_space<vmem>> -> memref<1x80xi32, #tpu.memory_space<vmem>>
          %dma_start3A_67 = tpu.memref_squeeze %dma_start3A_66 : memref<1x80xi32, #tpu.memory_space<vmem>> -> memref<80xi32, #tpu.memory_space<vmem>>
          %dma_start3A_68 = arith.constant 0 : i32
          %dma_start3A_69 = arith.constant 0 : i32
          %dma_start3A_70 = tpu.memref_slice %arg14[%dma_start3A_68, %dma_start3A_69] : memref<10000x128xf32, #tpu.memory_space<vmem_shared>> -> memref<10000x128xf32, #tpu.memory_space<vmem_shared>>
          tpu.enqueue_indirect_dma source(%arg10 : memref<80x128xf32, #tpu.memory_space<vmem>>) target(%dma_start3A_70 : memref<10000x128xf32, #tpu.memory_space<vmem_shared>>) offsets(%dma_start3A_67 : memref<80xi32, #tpu.memory_space<vmem>>) semaphore(%run_scoped3A : memref<!tpu.dma_semaphore, #tpu.memory_space<semaphore_mem>>) {add = true}
          %dma_wait3A_71 = arith.constant 0 : i32
          %dma_wait3A_72 = tpu.memref_slice %arg8[%add3A_47, %dma_wait3A_71] : memref<125x80xi32, #tpu.memory_space<vmem>> -> memref<1x80xi32, #tpu.memory_space<vmem>>
          %dma_wait3A_73 = tpu.memref_squeeze %dma_wait3A_72 : memref<1x80xi32, #tpu.memory_space<vmem>> -> memref<80xi32, #tpu.memory_space<vmem>>
          %dma_wait3A_74 = arith.constant 0 : i32
          %dma_wait3A_75 = arith.constant 0 : i32
          %dma_wait3A_76 = tpu.memref_slice %arg14[%dma_wait3A_74, %dma_wait3A_75] : memref<10000x128xf32, #tpu.memory_space<vmem_shared>> -> memref<10000x128xf32, #tpu.memory_space<vmem_shared>>
          tpu.wait_indirect_dma semaphore(%run_scoped3A : memref<!tpu.dma_semaphore, #tpu.memory_space<semaphore_mem>>) src(%arg10 : memref<80x128xf32, #tpu.memory_space<vmem>>) dst(%dma_wait3A_76 : memref<10000x128xf32, #tpu.memory_space<vmem_shared>>)
          tpu.yield
        }) : () -> ()
        "tpu.region"() ({
          %run_scoped3A = tpu.sem_alloc : memref<!tpu.dma_semaphore, #tpu.memory_space<semaphore_mem>>
          %dma_start3A_65 = arith.constant 0 : i32
          %dma_start3A_66 = tpu.memref_slice %arg8[%add3A_47, %dma_start3A_65] : memref<125x80xi32, #tpu.memory_space<vmem>> -> memref<1x80xi32, #tpu.memory_space<vmem>>
          %dma_start3A_67 = tpu.memref_squeeze %dma_start3A_66 : memref<1x80xi32, #tpu.memory_space<vmem>> -> memref<80xi32, #tpu.memory_space<vmem>>
          %dma_start3A_68 = arith.constant 0 : i32
          %dma_start3A_69 = tpu.memref_slice %arg15[%dma_start3A_68] : memref<10000xf32, #tpu.memory_space<vmem_shared>> -> memref<10000xf32, #tpu.memory_space<vmem_shared>>
          tpu.enqueue_indirect_dma source(%arg12 : memref<80xf32, #tpu.memory_space<vmem>>) target(%dma_start3A_69 : memref<10000xf32, #tpu.memory_space<vmem_shared>>) offsets(%dma_start3A_67 : memref<80xi32, #tpu.memory_space<vmem>>) semaphore(%run_scoped3A : memref<!tpu.dma_semaphore, #tpu.memory_space<semaphore_mem>>) {add = true}
          %dma_wait3A_70 = arith.constant 0 : i32
          %dma_wait3A_71 = tpu.memref_slice %arg8[%add3A_47, %dma_wait3A_70] : memref<125x80xi32, #tpu.memory_space<vmem>> -> memref<1x80xi32, #tpu.memory_space<vmem>>
          %dma_wait3A_72 = tpu.memref_squeeze %dma_wait3A_71 : memref<1x80xi32, #tpu.memory_space<vmem>> -> memref<80xi32, #tpu.memory_space<vmem>>
          %dma_wait3A_73 = arith.constant 0 : i32
          %dma_wait3A_74 = tpu.memref_slice %arg15[%dma_wait3A_73] : memref<10000xf32, #tpu.memory_space<vmem_shared>> -> memref<10000xf32, #tpu.memory_space<vmem_shared>>
          tpu.wait_indirect_dma semaphore(%run_scoped3A : memref<!tpu.dma_semaphore, #tpu.memory_space<semaphore_mem>>) src(%arg12 : memref<80xf32, #tpu.memory_space<vmem>>) dst(%dma_wait3A_74 : memref<10000xf32, #tpu.memory_space<vmem_shared>>)
          tpu.yield
        }) : () -> ()
        %add3A_58 = arith.constant 2 : i32
        %add3A_59 = arith.addi %add3A_47, %add3A_58 : i32
        %lt3A_60 = arith.constant 125 : i32
        %lt3A_61 = arith.cmpi slt, %add3A_59, %lt3A_60 : i32
        %convert_element_type3A_62 = arith.extui %lt3A_61 : i1 to i32
        %cond3A_63 = arith.constant 0 : i32
        %cond3A_64 = arith.cmpi ne, %convert_element_type3A_62, %cond3A_63 : i32
        scf.if %cond3A_64 {
          %add3A_65 = arith.constant 2 : i32
          %add3A_66 = arith.addi %add3A_47, %add3A_65 : i32
          %mul3A_67 = arith.constant 80 : i32
          %mul3A_68 = arith.muli %add3A_66, %mul3A_67 : i32
          %dma_start3A_69 = tpu.memref_slice %arg7[%mul3A_68] : memref<10000xi32, #tpu.memory_space<vmem>> -> memref<80xi32, #tpu.memory_space<vmem>>
          %dma_start3A_70 = arith.constant 0 : i32
          %dma_start3A_71 = arith.constant 0 : i32
          %dma_start3A_72 = tpu.memref_slice %arg2[%dma_start3A_70, %dma_start3A_71] : memref<10000x128xf32, #tpu.memory_space<hbm>> -> memref<10000x128xf32, #tpu.memory_space<hbm>>
          tpu.enqueue_indirect_dma source(%dma_start3A_72 : memref<10000x128xf32, #tpu.memory_space<hbm>>) target(%arg10 : memref<80x128xf32, #tpu.memory_space<vmem>>) offsets(%dma_start3A_69 : memref<80xi32, #tpu.memory_space<vmem>>) semaphore(%arg17 : memref<!tpu.dma_semaphore, #tpu.memory_space<semaphore_mem>>)
        } else {
        }
      } else {
      }
    }
    %scan3A_30 = arith.constant 63 : i32
    %barrier3A_31 = arith.constant 0 : index
    tpu.barrier barrier_id(%barrier3A_31)
    %scan3A_32 = arith.constant 0 : i32
    %scan3A_33 = arith.constant 8 : i32
    %scan3A_34 = arith.addi %scan3A_32, %scan3A_33 : i32
    %scan3A_35 = arith.constant 1 : i32
    scf.for %scan3A_37 = %scan3A_32 to %scan3A_34 step %scan3A_35  : i32 {
      %mul3A_38 = arith.constant 1 : i32
      %mul3A_39 = arith.muli %scan3A_37, %mul3A_38 : i32
      %add3A_40 = arith.constant 0 : i32
      %add3A_41 = arith.addi %add3A_40, %mul3A_39 : i32
      %mul3A_42 = arith.constant 8 : i32
      %mul3A_43 = arith.muli %arg1, %mul3A_42 : i32
      %add3A_44 = arith.addi %mul3A_43, %add3A_41 : i32
      %lt3A = arith.constant 125 : i32
      %lt3A_45 = arith.cmpi slt, %add3A_44, %lt3A : i32
      %convert_element_type3A = arith.extui %lt3A_45 : i1 to i32
      %cond3A = arith.constant 0 : i32
      %cond3A_46 = arith.cmpi ne, %convert_element_type3A, %cond3A : i32
      scf.if %cond3A_46 {
        %mul3A_47 = arith.constant 80 : i32
        %mul3A_48 = arith.muli %add3A_44, %mul3A_47 : i32
        %mul3A_49 = arith.constant 80 : i32
        %mul3A_50 = arith.muli %add3A_44, %mul3A_49 : i32
        "tpu.region"() ({
          %run_scoped3A = tpu.sem_alloc : memref<!tpu.dma_semaphore, #tpu.memory_space<semaphore_mem>>
          %dma_start3A_58 = arith.constant 0 : i32
          %dma_start3A_59 = tpu.memref_slice %arg5[%arg0, %mul3A_50, %dma_start3A_58] : memref<2x10000x128xf32, #tpu.memory_space<hbm>> -> memref<1x80x128xf32, #tpu.memory_space<hbm>>
          %dma_start3A_60 = tpu.memref_squeeze %dma_start3A_59 : memref<1x80x128xf32, #tpu.memory_space<hbm>> -> memref<80x128xf32, #tpu.memory_space<hbm>>
          %dma_start3A_61 = arith.constant 0 : i32
          %dma_start3A_62 = tpu.memref_slice %arg14[%mul3A_48, %dma_start3A_61] : memref<10000x128xf32, #tpu.memory_space<vmem_shared>> -> memref<80x128xf32, #tpu.memory_space<vmem_shared>>
          tpu.enqueue_dma source(%dma_start3A_62 : memref<80x128xf32, #tpu.memory_space<vmem_shared>>) target(%dma_start3A_60 : memref<80x128xf32, #tpu.memory_space<hbm>>) target_semaphore(%run_scoped3A : memref<!tpu.dma_semaphore, #tpu.memory_space<semaphore_mem>>)
          %dma_wait3A = arith.constant 0 : i32
          %dma_wait3A_63 = tpu.memref_slice %arg5[%arg0, %mul3A_50, %dma_wait3A] : memref<2x10000x128xf32, #tpu.memory_space<hbm>> -> memref<1x80x128xf32, #tpu.memory_space<hbm>>
          %dma_wait3A_64 = tpu.memref_squeeze %dma_wait3A_63 : memref<1x80x128xf32, #tpu.memory_space<hbm>> -> memref<80x128xf32, #tpu.memory_space<hbm>>
          %dma_wait3A_65 = arith.constant 0 : i32
          %dma_wait3A_66 = tpu.memref_slice %arg14[%mul3A_48, %dma_wait3A_65] : memref<10000x128xf32, #tpu.memory_space<vmem_shared>> -> memref<80x128xf32, #tpu.memory_space<vmem_shared>>
          tpu.wait_dma2 semaphore(%run_scoped3A : memref<!tpu.dma_semaphore, #tpu.memory_space<semaphore_mem>>) src(%dma_wait3A_66 : memref<80x128xf32, #tpu.memory_space<vmem_shared>>) dst(%dma_wait3A_64 : memref<80x128xf32, #tpu.memory_space<hbm>>)
          tpu.yield
        }) : () -> ()
        %mul3A_51 = arith.constant 80 : i32
        %mul3A_52 = arith.muli %add3A_44, %mul3A_51 : i32
        "tpu.region"() ({
          %run_scoped3A = tpu.sem_alloc : memref<!tpu.dma_semaphore, #tpu.memory_space<semaphore_mem>>
          %dma_start3A_58 = tpu.memref_slice %arg15[%mul3A_52] : memref<10000xf32, #tpu.memory_space<vmem_shared>> -> memref<80xf32, #tpu.memory_space<vmem_shared>>
          %dma_start3A_59 = tpu.memref_slice %arg15[%mul3A_52] : memref<10000xf32, #tpu.memory_space<vmem_shared>> -> memref<80xf32, #tpu.memory_space<vmem_shared>>
          tpu.enqueue_dma source(%dma_start3A_59 : memref<80xf32, #tpu.memory_space<vmem_shared>>) target(%arg13 : memref<80xf32, #tpu.memory_space<vmem>>) target_semaphore(%run_scoped3A : memref<!tpu.dma_semaphore, #tpu.memory_space<semaphore_mem>>)
          %dma_wait3A = tpu.memref_slice %arg15[%mul3A_52] : memref<10000xf32, #tpu.memory_space<vmem_shared>> -> memref<80xf32, #tpu.memory_space<vmem_shared>>
          %dma_wait3A_60 = tpu.memref_slice %arg15[%mul3A_52] : memref<10000xf32, #tpu.memory_space<vmem_shared>> -> memref<80xf32, #tpu.memory_space<vmem_shared>>
          tpu.wait_dma2 semaphore(%run_scoped3A : memref<!tpu.dma_semaphore, #tpu.memory_space<semaphore_mem>>) src(%dma_wait3A_60 : memref<80xf32, #tpu.memory_space<vmem_shared>>) dst(%arg13 : memref<80xf32, #tpu.memory_space<vmem>>)
          tpu.yield
        }) : () -> ()
        %mul3A_53 = arith.constant 10000 : i32
        %mul3A_54 = arith.muli %arg0, %mul3A_53 : i32
        %mul3A_55 = arith.constant 80 : i32
        %mul3A_56 = arith.muli %add3A_44, %mul3A_55 : i32
        %add3A_57 = arith.addi %mul3A_54, %mul3A_56 : i32
        "tpu.region"() ({
          %run_scoped3A = tpu.sem_alloc : memref<!tpu.dma_semaphore, #tpu.memory_space<semaphore_mem>>
          %dma_start3A_58 = tpu.memref_slice %arg6[%add3A_57] : memref<20000xf32, #tpu.memory_space<hbm>> -> memref<80xf32, #tpu.memory_space<hbm>>
          %dma_start3A_59 = tpu.memref_slice %arg6[%add3A_57] : memref<20000xf32, #tpu.memory_space<hbm>> -> memref<80xf32, #tpu.memory_space<hbm>>
          tpu.enqueue_dma source(%arg13 : memref<80xf32, #tpu.memory_space<vmem>>) target(%dma_start3A_59 : memref<80xf32, #tpu.memory_space<hbm>>) target_semaphore(%run_scoped3A : memref<!tpu.dma_semaphore, #tpu.memory_space<semaphore_mem>>)
          %dma_wait3A = tpu.memref_slice %arg6[%add3A_57] : memref<20000xf32, #tpu.memory_space<hbm>> -> memref<80xf32, #tpu.memory_space<hbm>>
          %dma_wait3A_60 = tpu.memref_slice %arg6[%add3A_57] : memref<20000xf32, #tpu.memory_space<hbm>> -> memref<80xf32, #tpu.memory_space<hbm>>
          tpu.wait_dma2 semaphore(%run_scoped3A : memref<!tpu.dma_semaphore, #tpu.memory_space<semaphore_mem>>) src(%arg13 : memref<80xf32, #tpu.memory_space<vmem>>) dst(%dma_wait3A_60 : memref<80xf32, #tpu.memory_space<hbm>>)
          tpu.yield
        }) : () -> ()
      } else {
      }
    }
    %scan3A_36 = arith.constant 8 : i32
    return
  }
}

</mosaic_0001>

<sc_bundles>
// kernel: kernel.3.cloned.1.call-start
scs
__scs_entry_jumppad:
0x0: {  	(pc) =	sbr.rel $0x88, $3  }
0x1: {  	(tag) =	ssettag $0x0;
	lr =	simm.s32 $0x1  }
0x2: {  	[smem:$0x3F9F] =	sst lr;
	_ =	strace $0xD0000000  }
0x3: {  	_ = 	snop  }
0x4: {  	_ = 	snop  }
0x5: {  	_ = 	snop  }
0x6: {  	_ = 	snop  }
0x7: {  	_ = 	snop  }
__scs_overlays_trampoline_lowered:
0x8: {  	[smem:$0x3FAE] =	sst s0  }
0x9: {  	[smem:$0x3FAF] =	sst s1  }
0xa: {  	[smem:$0x3FB0] =	sst s2  }
0xb: {  	[smem:$0x3FB1] =	sst s3  }
0xc: {  	[smem:$0x3FB2] =	sst s4  }
0xd: {  	[smem:$0x3FB3] =	sst s5  }
0xe: {  	[smem:$0x3FB4] =	sst s6  }
0xf: {  	[smem:$0x3FB5] =	sst s7  }
0x10: {  	[smem:$0x3FB6] =	sst s8  }
0x11: {  	[smem:$0x3FB7] =	sst s9;
	s0 =	simm.s32 @!p0 $0x0  }
0x12: {  	s1 =	sld [smem:$0x3F9D];
	s0 =	simm.s32 @p0 $0x1  }
0x13: {  	[smem:$0x3FB8] =	sst s0;
	s0 =	simm.s32 @!p1 $0x0  }
0x14: {  	s2 =	sld [smem:$0x3F9C];
	s0 =	simm.s32 @p1 $0x1  }
0x15: {  	[smem:$0x3FB9] =	sst s0;
	s0 =	simm.s32 @!p2 $0x0  }
0x16: {  	s3 =	sld [smem:$0x3FDB];
	s0 =	simm.s32 @p2 $0x1  }
0x17: {  	s4 =	simm.s32 $0x1BF5;
	[smem:$0x3FBB] =	sst s0  }
0x18: {  	s0 =	sld [smem:$0x3F9E];
	_ =	swait.ge [sflag:s4], $0x0  }
0x19: {  	s7 =	sld [smem:$0x3F9F]  }
0x1a: {  	s8 =	sadd.s32 $0xFFFFE003, lr  }
0x1b: {  	s9 =	sadd.s32 $0xFFFFFEF7, lr;
	s5 =	simm.s32 $0xFFFFFFFF;
	p2 =	slt.u32 s8, $0xFFFFF086  }
0x1c: {  	p1 =	slt.u32 s9, $0xF7A;
	s5 =	simm.s32 @!p2 $0x0  }
0x1d: {  	s5 =	simm.s32 @p1 $0x1;
	p0 =	seq.s32 s7, s2  }
0x1e: {  	s7 =	smul.u32 @!p0 $0xF7A, s2;
	p2 =	seq.s32 @!p0 s5, $0x0  }
0x1f: {  	s9 =	smul.u32 $0xF7A, s1;
	s8 =	simm.s32 @!p0 $0x1BF5;
	p2 =	por !p2, p0  }
0x20: {  	[sflag:s8] =	ssyncset.s32 @!p0 $0xFFFFF086;
	s6 =	sadd.s32 @!p0 s3, s7;
	s7 =	simm.s32 @!p0 $0x108  }
0x21: {  	s3 =	sadd.s32 s3, s9;
	s6 =	sadd.s32 @!p0 $0x88, s6;
	s7 =	simm.s32 @p2 $0x1082  }
0x22: {  	[simem:s7], [sflag:s8] =	dma.local @!p0 [hbm:s6], $0xF7A  }
0x23: {  	s9 =	sor.u32 $0xD0000000, s2;
	s6 =	simm.s32 $0x108;
	_ =	swait.ge @!p0 [sflag:s8], $0x0  }
0x24: {  	s3 =	sadd.s32 $0x88, s3;
	s6 =	simm.s32 @!p1 $0x1082;
	[sflag:s4] =	ssyncset.s32 $0xFFFFF086  }
0x25: {  	[simem:s6], [sflag:s4] =	dma.local [hbm:s3], $0xF7A  }
0x26: {  	[smem:$0x3F9F] =	sst s1;
	(tag) =	ssettag s2;
	_ =	strace s9  }
0x27: {  	s1 =	sld [smem:$0x3FAF]  }
0x28: {  	s2 =	sld [smem:$0x3FB0]  }
0x29: {  	s4 =	sld [smem:$0x3FB2]  }
0x2a: {  	p0 =	seq.s32 s5, $0x0;
	s5 =	sld [smem:$0x3FB3]  }
0x2b: {  	s6 =	sld [smem:$0x3FB4]  }
0x2c: {  	s7 =	sld [smem:$0x3FB5]  }
0x2d: {  	s3 =	simm.s32 $0x108;
	s8 =	sld [smem:$0x3FB6]  }
0x2e: {  	s3 =	simm.s32 @!p0 $0x1082;
	s9 =	sld [smem:$0x3FB7]  }
0x2f: {  	lr =	sadd.s32 s0, s3;
	s0 =	sld [smem:$0x3FAE]  }
0x30: {  	s3 =	sld [smem:$0x3FB1]  }
0x31: {  	[smem:$0x3FBA] =	sst s10  }
0x32: {  	s10 =	sld [smem:$0x3FB8];
	_ =	sdelay $0x3  }
0x33: {  	p0 =	seq.s32 s10, $0x1;
	s10 =	sld [smem:$0x3FBA];
	_ =	sdelay $0x3  }
0x34: {  	[smem:$0x3FBA] =	sst s10  }
0x35: {  	s10 =	sld [smem:$0x3FB9];
	_ =	sdelay $0x3  }
0x36: {  	p1 =	seq.s32 s10, $0x1;
	s10 =	sld [smem:$0x3FBA];
	_ =	sdelay $0x3  }
0x37: {  	[smem:$0x3FBA] =	sst s10  }
0x38: {  	s10 =	sld [smem:$0x3FBB]  }
0x39: {  	_ = 	snop;
	(pc) =	sbr.ind lr, $3  }
0x3a: {  	_ = 	snop  }
0x3b: {  	_ = 	snop  }
0x3c: {  	p2 =	seq.s32 s10, $0x1;
	s10 =	sld [smem:$0x3FBA]  }
0x3d: {  	_ =	shalt  }
0x3e: {  	_ =	shalt  }
0x3f: {  	_ =	shalt  }
0x40: {  	_ =	shalt  }
0x41: {  	_ =	shalt  }
0x42: {  	_ =	shalt  }
0x43: {  	_ =	shalt  }
0x44: {  	_ =	shalt  }
0x45: {  	_ =	shalt  }
0x46: {  	_ =	shalt  }
0x47: {  	_ =	shalt  }
0x48: {  	_ =	shalt  }
0x49: {  	_ =	shalt  }
0x4a: {  	_ =	shalt  }
0x4b: {  	_ =	shalt  }
0x4c: {  	_ =	shalt  }
0x4d: {  	_ =	shalt  }
0x4e: {  	_ =	shalt  }
0x4f: {  	_ =	shalt  }
0x50: {  	_ =	shalt  }
0x51: {  	_ =	shalt  }
0x52: {  	_ =	shalt  }
0x53: {  	_ =	shalt  }
0x54: {  	_ =	shalt  }
0x55: {  	_ =	shalt  }
0x56: {  	_ =	shalt  }
0x57: {  	_ =	shalt  }
0x58: {  	_ =	shalt  }
0x59: {  	_ =	shalt  }
0x5a: {  	_ =	shalt  }
0x5b: {  	_ =	shalt  }
0x5c: {  	_ =	shalt  }
0x5d: {  	_ =	shalt  }
0x5e: {  	_ =	shalt  }
0x5f: {  	_ =	shalt  }
0x60: {  	_ =	shalt  }
0x61: {  	_ =	shalt  }
0x62: {  	_ =	shalt  }
0x63: {  	_ =	shalt  }
0x64: {  	_ =	shalt  }
0x65: {  	_ =	shalt  }
0x66: {  	_ =	shalt  }
0x67: {  	_ =	shalt  }
0x68: {  	_ =	shalt  }
0x69: {  	_ =	shalt  }
0x6a: {  	_ =	shalt  }
0x6b: {  	_ =	shalt  }
0x6c: {  	_ =	shalt  }
0x6d: {  	_ =	shalt  }
0x6e: {  	_ =	shalt  }
0x6f: {  	_ =	shalt  }
0x70: {  	_ =	shalt  }
0x71: {  	_ =	shalt  }
0x72: {  	_ =	shalt  }
0x73: {  	_ =	shalt  }
0x74: {  	_ =	shalt  }
0x75: {  	_ =	shalt  }
0x76: {  	_ =	shalt  }
0x77: {  	_ =	shalt  }
0x78: {  	_ =	shalt  }
0x79: {  	_ =	shalt  }
0x7a: {  	_ =	shalt  }
0x7b: {  	_ =	shalt  }
0x7c: {  	_ =	shalt  }
0x7d: {  	_ =	shalt  }
0x7e: {  	_ =	shalt  }
0x7f: {  	_ =	shalt  }
0x80: {  	_ =	shalt  }
0x81: {  	_ =	shalt  }
0x82: {  	_ =	shalt  }
0x83: {  	_ =	shalt  }
0x84: {  	_ =	shalt  }
0x85: {  	_ =	shalt  }
0x86: {  	_ =	shalt  }
0x87: {  	_ =	shalt  }
.Lfunc_end0:
.L_simem_size_0:
called_computation_lowered:
.L_overlay_start_0:
0x88: {  	s2 =	sld [smem:$0x3FD9]  }
0x89: {  	s3 =	sld [smem:$0x3FFE];
	_ =	sdelay $0x1  }
0x8a: {  	s1 =	srdreg.scid  }
0x8b: {  	s0 =	sand.u32 $0x1, s1  }
0x8c: {  	s17 =	sshll.u32 s0, $0xA;
	s2 =	sadd.s32 s3, s2  }
0x8d: {  	s2 =	sadd.s32 s2, s17  }
0x8e: {  	[smem:$0x3FC6] =	sst s2  }
0x8f: {  	_ = 	snop  }
0x90: {  	s2 =	sld [smem:$0x3FC9]  }
0x91: {  	s18 =	sld [smem:$0x3FD0];
	(tm) =	ssettm $0x1  }
0x92: {  	s4 =	sld [smem:$0x3FFB];
	_ =	sdelay $0x3  }
0x93: {  	_ =	strace s4  }
0x94: {  	s4 =	sld [smem:$0x3FFC];
	_ =	sdelay $0x3  }
0x95: {  	_ =	strace s4  }
0x96: {  	s4 =	sld [smem:$0x3FFD];
	_ =	sdelay $0x3  }
0x97: {  	_ =	strace s4  }
0x98: {  	_ =	strace $0x8FFFFFFF  }
0x99: {  	s19 =	sld [smem:$0x3FDB];
	_ =	sdelay $0x1  }
0x9a: {  	s5 =	simm.s32 $_scs_section_size  }
0x9b: {  	s6 =	simm.s32 $_size__tile_overlayer_lowered;
	s7 =	simm.s32 $_tile_overlayer_lowered  }
0x9c: {  	s22 =	simm.s32 $0x1BFF;
	s21 =	sshll.u32 s7, $0x1;
	s4 =	sadd.s32 s5, s19  }
0x9d: {  	s8 =	simm.s32 $0x0;
	s20 =	sshll.u32 s6, $0x1;
	s6 =	sadd.s32 s21, s4  }
0x9e: {  	[timem:s8], [sflag:s22] =	dma.local [hbm:s6], s20  }
0x9f: {  	_ =	swait.ge [sflag:s22], s20  }
0xa0: {  	s5 =	ssub.s32 $0x0, s20;
	[sflag:s22] =	ssyncset.done $0x0  }
0xa1: {  	[sflag:s22] =	ssyncadd.s32 s5;
	_ =	sdelay $0x1  }
0xa2: {  	s23 =	simm.s32 $0x1B8B  }
0xa3: {  	_ =	swait.ge [sflag:s23], $0x1  }
0xa4: {  	[sflag:s23] =	ssyncset.done $0x0  }
0xa5: {  	s25 =	simm.s32 $0x1B8E;
	s24 =	sld [smem:$0x3FFE];
	[sflag:s23] =	ssyncadd.s32 $0xFFFFFFFF  }
0xa6: {  	s26 =	simm.s32 $execute0_lowered;
	[smem:$0x3FD2] =	sst s25  }
0xa7: {  	s6 =	sshll.u32 s26, $0x1;
	_ =	strace $0x80000046;
	[dreg:$0x1] =	wrdreg $0xFFFFFFFF  }
0xa8: {  	s28 =	simm.s32 $_size_execute0_lowered;
	s4 =	sadd.s32 s4, s6;
	[dreg:$0x0] =	wrdreg $0x0  }
0xa9: {  	s6 =	sshll.u32 s28, $0x1;
	[dreg:$0x2] =	wrdreg s4  }
0xaa: {  	[dreg:$0x3] =	wrdreg s6  }
0xab: {  	[dreg:$0x4] =	wrdreg $0xC0  }
0xac: {  	_ =	task [dreg:s8], $0x5FFFF  }
0xad: {  	[dreg:$0x1] =	wrdreg $0xFFFFFFFF  }
0xae: {  	[dreg:$0x0] =	wrdreg $0x60  }
0xaf: {  	[dreg:$0x2] =	wrdreg s2  }
0xb0: {  	[dreg:$0x3] =	wrdreg s24  }
0xb1: {  	[dreg:$0x4] =	wrdreg s18  }
0xb2: {  	[dreg:$0x5] =	wrdreg $0xC0800  }
0xb3: {  	[dreg:$0x6] =	wrdreg $0x1F9000  }
0xb4: {  	[dreg:$0x7] =	wrdreg $0x9  }
0xb5: {  	_ =	task.clear_ibuf [dreg:s8], $0x8FFFF;
	_ =	strace $0x90000046  }
0xb6: {  	s29 =	simm.s32 $0x9;
	_ =	strace $0x80000048  }
0xb7: {  	_ =	swait.ge [sflag:s29], $0x1  }
0xb8: {  	[sflag:s29] =	ssyncadd.s32 $0xFFFFFFFF  }
0xb9: {  	_ =	strace $0x90000048  }
0xba: {  	_ =	sfence  }
0xbb: {  	s30 =	sld [smem:$0x0];
	_ =	sdelay $0x2  }
0xbc: {  	s31 =	sshll.u32 s1, $0xD;
	s1 =	sshrl.u32 s1, $0x2  }
0xbd: {  	s3 =	sand.u32 $0x4000, s31;
	s1 =	sadd.s32 s1, s30  }
0xbe: {  	s0 =	sor.u32 s3, s0;
	s1 =	sshll.u32 s1, $0x11  }
0xbf: {  	s0 =	sor.u32 s1, s0  }
0xc0: {  	s0 =	sadd.s32 $0x8F2B, s0  }
0xc1: {  	[sflag:s0] =	ssyncadd.remote.s32 $0x1  }
0xc2: {  	_ =	sfence.sel $0xFFFF  }
0xc3: {  	[dreg:$0x0] =	wrdreg $0xFFFFFFFF;
	(pc) =	sbr.abs _section_cstart, $3  }
0xc4: {  	[dreg:$0x1] =	wrdreg $0xFFFFFFFF  }
0xc5: {  	_ =	task.clear_ibuf [dreg:s8], $0x2FFFF;
	_ =	strace $0x9FFFFFFF  }
0xc6: {  	(tm) =	ssettm $0x7FFFFFFF  }
0xc7: {  	_ =	shalt  }
tec
execute0_lowered:
.L_overlay_start_1:
0x0: {  	(tag) =	ssettag $0x1  }
0x1: {  	s1 =	rddreg [dreg:$0x0]  }
0x2: {  	s0 =	rddreg [dreg:$0x1]  }
0x3: {  	s5 =	rddreg [dreg:$0x2]  }
0x4: {  	s3 =	rddreg [dreg:$0x3]  }
0x5: {  	s4 =	rddreg [dreg:$0x4];
	s6 =	srdreg.scid  }
0x6: {  	s2 =	stileid.u32;
	s9 =	simm.s32 $0x0;
	s16 =	simm.s32 $0x50  }
0x7: {  	s17 =	simm.s32 $0x6780;
	s18 =	simm.s32 $0x8F80;
	s23 =	smul.u32 $0x280, s2  }
0x8: {  	s19 =	simm.s32 $0x1;
	s20 =	simm.s32 $0xBF80;
	s12 =	smul.u32 $0x50000, s2  }
0x9: {  	s21 =	simm.s32 $0x2;
	s22 =	simm.s32 $0x6480;
	s26 =	smul.u32 $0x14000, s2  }
0xa: {  	s6 =	sand.u32 $0x1, s6;
	s7 =	sshll.u32 s2, $0x1;
	s14 =	smul.u32 $0xA00, s2  }
0xb: {  	[smem:$0x7FF] =	sst s9;
	s8 =	smul.u32 $0x2710, s6;
	s7 =	sor.u32 s6, s7  }
0xc: {  	_ =	strace $0x80000047;
	s24 =	ssub.s32 $0x2, s6;
	s11 =	smul.u32 $0x138800, s6  }
0xd: {  	s10 =	sshll.u32 s7, $0xB;
	s7 =	smul.u32 $0x4E2, s7;
	s25 =	sshrl.u32 s24, $0x1  }
0xe: {  	s30 =	sshrl.u32 s12, $0x2;
	s31 =	sshrl.u32 s14, $0x2;
	s14 =	simm.s32 $0x3  }
0xf: {  	s10 =	sadd.s32 s10, s0;
	s8 =	sadd.s32 s23, s8;
	s9 =	ssub.s32 s24, s25  }
0x10: {  	s23 =	simm.s32 $0x6500;
	s24 =	simm.s32 $0x6580;
	s25 =	simm.s32 $0x0  }
0x11: {  	s8 =	sshrl.u32 s8, $0x3;
	s28 =	sadd.s32 $0x9E00, s10;
	s29 =	smax.u32 s9, $0x1  }
0x12: {  	s13 =	sadd.s32 s8, s0;
	s0 =	sadd.s32 s0, s7;
	[dreg:$0x7] =	wrdreg s28  }
0x13: {  	s10 =	sadd.s32 s30, s3;
	[dreg:$0x6] =	wrdreg s0;
	s0 =	sadd.s32 s26, s11  }
0x14: {  	s8 =	sshll.u32 s2, $0x3;
	[dreg:$0x8] =	wrdreg s29;
	s0 =	sshrl.u32 s0, $0x3  }
0x15: {  	v0 =	vimm.f32 $0.0e+00;
	v1 =	vimm.f32 $1.000000000e+00;
	s11 =	sadd.s32 s31, s4;
	s13 =	sadd.s32 $0x19E00, s13;
	s12 =	sadd.s32 s0, s5  }
.LBB2_1:
0x16: {  	s0 =	simm.s32 $0x0;
	s5 =	rddreg [dreg:$0x6]  }
0x17: {  	[tilespmem:s0], [sflag:$0x3] =	stream.linear.gather [hbm4b:s5+s0], $0x2710, $0x38;
	[tilespmem:$0x1FB78] =	vst v63  }
0x18: {  	_ =	swait.ge [sflag:s14], $0x2710  }
0x19: {  	[sflag:s14] =	ssyncset.done $0x0  }
0x1a: {  	s6 =	simm.s32 $0x2780;
	s31 =	rddreg [dreg:$0x7];
	[sflag:s14] =	ssyncadd.s32 $0xFFFFD8F0  }
0x1b: {  	[tilespmem:s6], [sflag:$0x3] =	stream.linear.gather [hbm4b:s31+s0], $0x3E80, $0x38;
	[tilespmem:$0x1FB78] =	vst v63  }
0x1c: {  	_ =	swait.ge [sflag:s14], $0x3E80  }
0x1d: {  	[sflag:s14] =	ssyncset.done $0x0  }
0x1e: {  	s26 =	simm.s32 $0x200;
	s0 =	simm.s32 $0x0;
	[sflag:s14] =	ssyncadd.s32 $0xFFFFC180  }
.LBB2_2:
0x1f: {  	p0 =	sne.s32 s26, $0x1E00;
	[tilespmem:s0+$0xB7F0] =	vst v0  }
0x20: {  	[tilespmem:s0+$0xB780] =	vst v0  }
0x21: {  	[tilespmem:s0+$0xB790] =	vst v0  }
.Ltmp0:
0x22: {  	[tilespmem:s0+$0xB7A0] =	vst v0;
	(pc) =	sbr.rel @p0 .LBB2_2-.Ltmp0, $4  }
0x23: {  	[tilespmem:s0+$0xB7B0] =	vst v0  }
0x24: {  	[tilespmem:s0+$0xB7C0] =	vst v0  }
0x25: {  	[tilespmem:s0+$0xB7D0] =	vst v0  }
0x26: {  	[tilespmem:s0+$0xB7E0] =	vst v0;
	s0 =	sshra.s32 s26, $0x2;
	s26 =	sadd.s32 $0x200, s26  }
0x27: {  	[tilespmem:s0+$0xB7F0] =	vst v0  }
0x28: {  	[tilespmem:s0+$0xB780] =	vst v0  }
0x29: {  	[tilespmem:s0+$0xB790] =	vst v0  }
0x2a: {  	[tilespmem:s0+$0xB7A0] =	vst v0  }
0x2b: {  	[tilespmem:s0+$0xB7B0] =	vst v0  }
0x2c: {  	[tilespmem:s0+$0xB7C0] =	vst v0  }
0x2d: {  	[tilespmem:s0+$0xB7D0] =	vst v0  }
0x2e: {  	[tilespmem:s0+$0xB7E0] =	vst v0  }
0x2f: {  	[tilespmem:$0xBF80] =	vst v1  }
0x30: {  	[tilespmem:$0xC000] =	vst v0  }
0x31: {  	[tilespmem:$0xBF90] =	vst v1  }
0x32: {  	[tilespmem:$0xC010] =	vst v0  }
0x33: {  	[tilespmem:$0xBFA0] =	vst v1  }
0x34: {  	[tilespmem:$0xC020] =	vst v0  }
0x35: {  	[tilespmem:$0xBFB0] =	vst v1  }
0x36: {  	[tilespmem:$0xC030] =	vst v0  }
0x37: {  	p1 =	sgt.u32 s8, $0x7C;
	[tilespmem:$0xBFC0] =	vst v1  }
0x38: {  	[tilespmem:$0xC040] =	vst v0;
	s0 =	simm.s32 @!p1 $0xB780;
	s5 =	sadd.s32 @!p1 $0x0, s10;
	s15 =	simm.s32 @!p1 $0x4  }
0x39: {  	[spmem:s5] =	stream.linear.scatter @!p1 [tilespmem:s0], [sflag:$0x4], $0x800, $0x38;
	[tilespmem:$0x1FB78] =	vst v63  }
0x3a: {  	_ =	swait.ge @!p1 [sflag:s15], $0x800  }
0x3b: {  	[sflag:s15] =	ssyncset.done @!p1 $0x0  }
0x3c: {  	s26 =	sadd.s32 @!p1 $0x800, s5;
	[sflag:s15] =	ssyncadd.s32 @!p1 $0xFFFFF800  }
0x3d: {  	[spmem:s26] =	stream.linear.scatter @!p1 [tilespmem:s0], [sflag:$0x4], $0x800, $0x38;
	[tilespmem:$0x1FB78] =	vst v63  }
0x3e: {  	p0 =	por p1, p1;
	_ =	swait.ge @!p1 [sflag:s15], $0x800  }
0x3f: {  	[sflag:s15] =	ssyncset.done @!p0 $0x0  }
0x40: {  	s26 =	sadd.s32 @!p1 $0x1000, s5;
	[sflag:s15] =	ssyncadd.s32 @!p0 $0xFFFFF800  }
0x41: {  	[spmem:s26] =	stream.linear.scatter @!p0 [tilespmem:s0], [sflag:$0x4], $0x800, $0x38;
	[tilespmem:$0x1FB78] =	vst v63  }
0x42: {  	_ =	swait.ge @!p0 [sflag:s15], $0x800  }
0x43: {  	[sflag:s15] =	ssyncset.done @!p0 $0x0  }
0x44: {  	s26 =	sadd.s32 @!p1 $0x1800, s5;
	[sflag:s15] =	ssyncadd.s32 @!p0 $0xFFFFF800  }
0x45: {  	[spmem:s26] =	stream.linear.scatter @!p0 [tilespmem:s0], [sflag:$0x4], $0x800, $0x38;
	[tilespmem:$0x1FB78] =	vst v63  }
0x46: {  	_ =	swait.ge @!p0 [sflag:s15], $0x800  }
0x47: {  	[sflag:s15] =	ssyncset.done @!p0 $0x0  }
0x48: {  	s5 =	sadd.s32 @!p1 $0x2000, s5;
	[sflag:s15] =	ssyncadd.s32 @!p0 $0xFFFFF800  }
0x49: {  	[spmem:s5] =	stream.linear.scatter @!p0 [tilespmem:s0], [sflag:$0x4], $0x800, $0x38;
	[tilespmem:$0x1FB78] =	vst v63  }
0x4a: {  	s29 =	sadd.s32 $0x1, s8;
	_ =	swait.ge @!p0 [sflag:s15], $0x800  }
0x4b: {  	p1 =	sgt.u32 s29, $0x7C;
	[sflag:s15] =	ssyncset.done @!p0 $0x0  }
0x4c: {  	s5 =	simm.s32 @!p0 $0xC000;
	s0 =	simm.s32 @!p0 $0x3;
	[sflag:s15] =	ssyncadd.s32 @!p0 $0xFFFFF800  }
0x4d: {  	[spmem:s11] =	stream.linear.scatter @!p0 [tilespmem:s5], [sflag:$0x3], $0x50, $0x38;
	[tilespmem:$0x1FB78] =	vst v63  }
0x4e: {  	s28 =	simm.s32 $0x14000;
	s30 =	simm.s32 @!p1 $0xB780;
	_ =	swait.ge @!p0 [sflag:s0], $0x50  }
0x4f: {  	s26 =	sadd.s32 $0x50, s11;
	s15 =	simm.s32 @!p1 $0x2800;
	[sflag:s0] =	ssyncset.done @!p0 $0x0  }
.LBB2_4:
0x50: {  	s5 =	sadd.s32 @!p1 s15, s10;
	s15 =	simm.s32 @!p1 $0x4;
	[sflag:s0] =	ssyncadd.s32 @!p0 $0xFFFFFFB0  }
0x51: {  	[spmem:s5] =	stream.linear.scatter @!p1 [tilespmem:s30], [sflag:$0x4], $0x800, $0x38;
	[tilespmem:$0x1FB78] =	vst v63  }
0x52: {  	s0 =	sadd.s32 @!p1 $0x800, s5;
	s31 =	sadd.s32 @!p1 $0x1000, s5;
	_ =	swait.ge @!p1 [sflag:s15], $0x800  }
0x53: {  	s6 =	sadd.s32 @!p1 $0x1800, s5;
	s5 =	sadd.s32 @!p1 $0x2000, s5;
	[sflag:s15] =	ssyncset.done @!p1 $0x0  }
0x54: {  	s7 =	smov.u32 s28;
	s28 =	sadd.s32 $0xA000, s28;
	[sflag:s15] =	ssyncadd.s32 @!p1 $0xFFFFF800  }
0x55: {  	[spmem:s0] =	stream.linear.scatter @!p1 [tilespmem:s30], [sflag:$0x4], $0x800, $0x38;
	[tilespmem:$0x1FB78] =	vst v63  }
0x56: {  	p0 =	por p1, p1;
	p2 =	sne.s32 s28, $0x50000;
	_ =	swait.ge @!p1 [sflag:s15], $0x800  }
0x57: {  	[sflag:s15] =	ssyncset.done @!p0 $0x0  }
0x58: {  	[sflag:s15] =	ssyncadd.s32 @!p0 $0xFFFFF800  }
0x59: {  	[spmem:s31] =	stream.linear.scatter @!p0 [tilespmem:s30], [sflag:$0x4], $0x800, $0x38;
	[tilespmem:$0x1FB78] =	vst v63  }
0x5a: {  	_ =	swait.ge @!p0 [sflag:s15], $0x800  }
0x5b: {  	[sflag:s15] =	ssyncset.done @!p0 $0x0  }
0x5c: {  	[sflag:s15] =	ssyncadd.s32 @!p0 $0xFFFFF800  }
0x5d: {  	[spmem:s6] =	stream.linear.scatter @!p0 [tilespmem:s30], [sflag:$0x4], $0x800, $0x38;
	[tilespmem:$0x1FB78] =	vst v63  }
0x5e: {  	_ =	swait.ge @!p0 [sflag:s15], $0x800  }
0x5f: {  	[sflag:s15] =	ssyncset.done @!p0 $0x0  }
0x60: {  	[sflag:s15] =	ssyncadd.s32 @!p0 $0xFFFFF800  }
0x61: {  	[spmem:s5] =	stream.linear.scatter @!p0 [tilespmem:s30], [sflag:$0x4], $0x800, $0x38;
	[tilespmem:$0x1FB78] =	vst v63  }
0x62: {  	_ =	swait.ge @!p0 [sflag:s15], $0x800  }
.Ltmp1:
0x63: {  	s29 =	sadd.s32 $0x1, s29;
	[sflag:s15] =	ssyncset.done @!p0 $0x0;
	(pc) =	sbr.rel @p2 .LBB2_4-.Ltmp1, $4  }
0x64: {  	s0 =	simm.s32 @!p0 $0x3;
	s5 =	simm.s32 @!p0 $0xC000;
	[sflag:s15] =	ssyncadd.s32 @!p0 $0xFFFFF800  }
0x65: {  	[spmem:s26] =	stream.linear.scatter @!p0 [tilespmem:s5], [sflag:$0x3], $0x50, $0x38;
	[tilespmem:$0x1FB78] =	vst v63  }
0x66: {  	p1 =	sgt.u32 s29, $0x7C;
	s26 =	sadd.s32 $0x50, s26;
	_ =	swait.ge @!p0 [sflag:s0], $0x50  }
0x67: {  	s30 =	simm.s32 @!p1 $0xB780;
	s15 =	sshra.s32 @!p1 s7, $0x2;
	[sflag:s0] =	ssyncset.done @!p0 $0x0  }
0x68: {  	s5 =	sadd.s32 @!p1 s15, s10;
	s6 =	simm.s32 @!p1 $0x4;
	[sflag:s0] =	ssyncadd.s32 @!p0 $0xFFFFFFB0  }
0x69: {  	[spmem:s5] =	stream.linear.scatter @!p1 [tilespmem:s30], [sflag:$0x4], $0x800, $0x38;
	[tilespmem:$0x1FB78] =	vst v63  }
0x6a: {  	_ =	swait.ge @!p1 [sflag:s6], $0x800  }
0x6b: {  	[sflag:s6] =	ssyncset.done @!p1 $0x0  }
0x6c: {  	s0 =	sadd.s32 @!p1 $0x800, s5;
	[sflag:s6] =	ssyncadd.s32 @!p1 $0xFFFFF800  }
0x6d: {  	[spmem:s0] =	stream.linear.scatter @!p1 [tilespmem:s30], [sflag:$0x4], $0x800, $0x38;
	[tilespmem:$0x1FB78] =	vst v63  }
0x6e: {  	p0 =	por p1, p1;
	_ =	swait.ge @!p1 [sflag:s6], $0x800  }
0x6f: {  	[sflag:s6] =	ssyncset.done @!p0 $0x0  }
0x70: {  	s0 =	sadd.s32 @!p1 $0x1000, s5;
	[sflag:s6] =	ssyncadd.s32 @!p0 $0xFFFFF800  }
0x71: {  	[spmem:s0] =	stream.linear.scatter @!p0 [tilespmem:s30], [sflag:$0x4], $0x800, $0x38;
	[tilespmem:$0x1FB78] =	vst v63  }
0x72: {  	_ =	swait.ge @!p0 [sflag:s6], $0x800  }
0x73: {  	[sflag:s6] =	ssyncset.done @!p0 $0x0  }
0x74: {  	s0 =	sadd.s32 @!p1 $0x1800, s5;
	[sflag:s6] =	ssyncadd.s32 @!p0 $0xFFFFF800  }
0x75: {  	[spmem:s0] =	stream.linear.scatter @!p0 [tilespmem:s30], [sflag:$0x4], $0x800, $0x38;
	[tilespmem:$0x1FB78] =	vst v63  }
0x76: {  	_ =	swait.ge @!p0 [sflag:s6], $0x800  }
0x77: {  	[sflag:s6] =	ssyncset.done @!p0 $0x0  }
0x78: {  	s0 =	sadd.s32 @!p1 $0x2000, s5;
	[sflag:s6] =	ssyncadd.s32 @!p0 $0xFFFFF800  }
0x79: {  	[spmem:s0] =	stream.linear.scatter @!p0 [tilespmem:s30], [sflag:$0x4], $0x800, $0x38;
	[tilespmem:$0x1FB78] =	vst v63  }
0x7a: {  	_ =	swait.ge @!p0 [sflag:s6], $0x800  }
0x7b: {  	[sflag:s6] =	ssyncset.done @!p0 $0x0  }
0x7c: {  	s5 =	simm.s32 @!p0 $0x3;
	s0 =	simm.s32 @!p0 $0xC000;
	[sflag:s6] =	ssyncadd.s32 @!p0 $0xFFFFF800  }
0x7d: {  	[spmem:s26] =	stream.linear.scatter @!p0 [tilespmem:s0], [sflag:$0x3], $0x50, $0x38;
	[tilespmem:$0x1FB78] =	vst v63  }
0x7e: {  	_ =	swait.ge @!p0 [sflag:s5], $0x50  }
0x7f: {  	[sflag:s5] =	ssyncset.done @!p0 $0x0  }
0x80: {  	[sflag:s5] =	ssyncadd.s32 @!p0 $0xFFFFFFB0  }
0x81: {  	s26 =	simm.s32 $0x0;
	[bflag:$0x0] =	sbarrier.arrive $0xFFFF  }
0x82: {  	[tilespmem:s17], [sflag:$0x1] =	stream.indirect.gather [hbm4b:s1+s16], $0x80, s26, s16, $0xb8;
	[tilespmem:$0x1FB78] =	vst v63  }
0x83: {  	_ = 	snop  }
0x84: {  	[tilespmem:s18], [sflag:$0x2] =	stream.indirect.gather [hbm4b:s1+s16], $0x80, s16, s16, $0xb8;
	[tilespmem:$0x1FB78] =	vst v63  }
0x85: {  	_ =	swait.ge [sflag:s19], $0x2800  }
0x86: {  	[sflag:s19] =	ssyncset.done $0x0  }
0x87: {  	s29 =	simm.s32 $0x2780;
	[sflag:s19] =	ssyncadd.s32 $0xFFFFD800  }
0x88: {  	[spmem:s3] =	stream.indirect.scatter.add.f32 [tilespmem:s17], [sflag:$0x3], $0x80, s29, s16, $0xb8;
	[tilespmem:$0x1FB78] =	vst v63  }
0x89: {  	_ =	swait.ge [sflag:s14], $0x2800  }
0x8a: {  	[sflag:s14] =	ssyncset.done $0x0  }
0x8b: {  	[sflag:s14] =	ssyncadd.s32 $0xFFFFD800  }
0x8c: {  	[spmem:s4] =	stream.indirect.scatter.add.f32 [tilespmem:s20], [sflag:$0x3], $0x1, s29, s16, $0xb8;
	[tilespmem:$0x1FB78] =	vst v63  }
0x8d: {  	_ =	swait.ge [sflag:s14], $0x50  }
0x8e: {  	[sflag:s14] =	ssyncset.done $0x0  }
0x8f: {  	s30 =	simm.s32 $0xA0;
	[sflag:s14] =	ssyncadd.s32 $0xFFFFFFB0  }
0x90: {  	[tilespmem:s17], [sflag:$0x1] =	stream.indirect.gather [hbm4b:s1+s16], $0x80, s30, s16, $0xb8;
	[tilespmem:$0x1FB78] =	vst v63  }
0x91: {  	_ =	swait.ge [sflag:s21], $0x2800  }
0x92: {  	[sflag:s21] =	ssyncset.done $0x0  }
0x93: {  	s31 =	simm.s32 $0x2800;
	[sflag:s21] =	ssyncadd.s32 $0xFFFFD800  }
0x94: {  	[spmem:s3] =	stream.indirect.scatter.add.f32 [tilespmem:s18], [sflag:$0x3], $0x80, s31, s16, $0xb8;
	[tilespmem:$0x1FB78] =	vst v63  }
0x95: {  	_ =	swait.ge [sflag:s14], $0x2800  }
0x96: {  	[sflag:s14] =	ssyncset.done $0x0  }
0x97: {  	[sflag:s14] =	ssyncadd.s32 $0xFFFFD800  }
0x98: {  	[spmem:s4] =	stream.indirect.scatter.add.f32 [tilespmem:s20], [sflag:$0x3], $0x1, s31, s16, $0xb8;
	[tilespmem:$0x1FB78] =	vst v63  }
0x99: {  	_ =	swait.ge [sflag:s14], $0x50  }
0x9a: {  	s28 =	simm.s32 $0x400;
	[sflag:s14] =	ssyncset.done $0x0  }
0x9b: {  	s0 =	simm.s32 $0xF0;
	s26 =	simm.s32 $0x140;
	[sflag:s14] =	ssyncadd.s32 $0xFFFFFFB0  }
.LBB2_6:
0x9c: {  	[tilespmem:s18], [sflag:$0x2] =	stream.indirect.gather [hbm4b:s1+s16], $0x80, s0, s16, $0xb8;
	[tilespmem:$0x1FB78] =	vst v63  }
0x9d: {  	s0 =	smov.u32 s28  }
0x9e: {  	p0 =	sne.s32 s28, $0xF000;
	s28 =	sadd.s32 $0x400, s28;
	_ =	swait.ge [sflag:s19], $0x2800  }
0x9f: {  	s0 =	sshra.s32 s0, $0x2;
	[sflag:s19] =	ssyncset.done $0x0  }
0xa0: {  	s5 =	sadd.s32 $0x2780, s0;
	[sflag:s19] =	ssyncadd.s32 $0xFFFFD800  }
0xa1: {  	[spmem:s3] =	stream.indirect.scatter.add.f32 [tilespmem:s17], [sflag:$0x3], $0x80, s5, s16, $0xb8;
	[tilespmem:$0x1FB78] =	vst v63  }
0xa2: {  	_ =	swait.ge [sflag:s14], $0x2800  }
0xa3: {  	[sflag:s14] =	ssyncset.done $0x0  }
0xa4: {  	[sflag:s14] =	ssyncadd.s32 $0xFFFFD800  }
0xa5: {  	[spmem:s4] =	stream.indirect.scatter.add.f32 [tilespmem:s20], [sflag:$0x3], $0x1, s5, s16, $0xb8;
	[tilespmem:$0x1FB78] =	vst v63  }
0xa6: {  	_ =	swait.ge [sflag:s14], $0x50  }
0xa7: {  	[sflag:s14] =	ssyncset.done $0x0  }
0xa8: {  	[sflag:s14] =	ssyncadd.s32 $0xFFFFFFB0  }
0xa9: {  	[tilespmem:s17], [sflag:$0x1] =	stream.indirect.gather [hbm4b:s1+s16], $0x80, s26, s16, $0xb8;
	[tilespmem:$0x1FB78] =	vst v63  }
0xaa: {  	_ =	swait.ge [sflag:s21], $0x2800  }
0xab: {  	[sflag:s21] =	ssyncset.done $0x0  }
0xac: {  	s0 =	sadd.s32 $0x2800, s0;
	[sflag:s21] =	ssyncadd.s32 $0xFFFFD800  }
0xad: {  	[spmem:s3] =	stream.indirect.scatter.add.f32 [tilespmem:s18], [sflag:$0x3], $0x80, s0, s16, $0xb8;
	[tilespmem:$0x1FB78] =	vst v63  }
0xae: {  	_ =	swait.ge [sflag:s14], $0x2800  }
0xaf: {  	[sflag:s14] =	ssyncset.done $0x0  }
.Ltmp2:
0xb0: {  	[sflag:s14] =	ssyncadd.s32 $0xFFFFD800;
	(pc) =	sbr.rel @p0 .LBB2_6-.Ltmp2, $4  }
0xb1: {  	[spmem:s4] =	stream.indirect.scatter.add.f32 [tilespmem:s20], [sflag:$0x3], $0x1, s0, s16, $0xb8;
	[tilespmem:$0x1FB78] =	vst v63  }
0xb2: {  	_ =	swait.ge [sflag:s14], $0x50  }
0xb3: {  	[sflag:s14] =	ssyncset.done $0x0  }
0xb4: {  	s0 =	sadd.s32 $0x50, s26;
	s26 =	sadd.s32 $0xA0, s26;
	[sflag:s14] =	ssyncadd.s32 $0xFFFFFFB0  }
0xb5: {  	[tilespmem:s18], [sflag:$0x2] =	stream.indirect.gather [hbm4b:s1+s16], $0x80, s0, s16, $0xb8;
	[tilespmem:$0x1FB78] =	vst v63  }
0xb6: {  	_ =	swait.ge [sflag:s19], $0x2800  }
0xb7: {  	[sflag:s19] =	ssyncset.done $0x0  }
0xb8: {  	[sflag:s19] =	ssyncadd.s32 $0xFFFFD800  }
0xb9: {  	[spmem:s3] =	stream.indirect.scatter.add.f32 [tilespmem:s17], [sflag:$0x3], $0x80, s22, s16, $0xb8;
	[tilespmem:$0x1FB78] =	vst v63  }
0xba: {  	_ =	swait.ge [sflag:s14], $0x2800  }
0xbb: {  	[sflag:s14] =	ssyncset.done $0x0  }
0xbc: {  	[sflag:s14] =	ssyncadd.s32 $0xFFFFD800  }
0xbd: {  	[spmem:s4] =	stream.indirect.scatter.add.f32 [tilespmem:s20], [sflag:$0x3], $0x1, s22, s16, $0xb8;
	[tilespmem:$0x1FB78] =	vst v63  }
0xbe: {  	_ =	swait.ge [sflag:s14], $0x50  }
0xbf: {  	[sflag:s14] =	ssyncset.done $0x0  }
0xc0: {  	[sflag:s14] =	ssyncadd.s32 $0xFFFFFFB0  }
0xc1: {  	[tilespmem:s17], [sflag:$0x1] =	stream.indirect.gather [hbm4b:s1+s16], $0x80, s26, s16, $0xb8;
	[tilespmem:$0x1FB78] =	vst v63  }
0xc2: {  	_ =	swait.ge [sflag:s21], $0x2800  }
0xc3: {  	[sflag:s21] =	ssyncset.done $0x0  }
0xc4: {  	[sflag:s21] =	ssyncadd.s32 $0xFFFFD800  }
0xc5: {  	[spmem:s3] =	stream.indirect.scatter.add.f32 [tilespmem:s18], [sflag:$0x3], $0x80, s23, s16, $0xb8;
	[tilespmem:$0x1FB78] =	vst v63  }
0xc6: {  	_ =	swait.ge [sflag:s14], $0x2800  }
0xc7: {  	[sflag:s14] =	ssyncset.done $0x0  }
0xc8: {  	[sflag:s14] =	ssyncadd.s32 $0xFFFFD800  }
0xc9: {  	[spmem:s4] =	stream.indirect.scatter.add.f32 [tilespmem:s20], [sflag:$0x3], $0x1, s23, s16, $0xb8;
	[tilespmem:$0x1FB78] =	vst v63  }
0xca: {  	_ =	swait.ge [sflag:s14], $0x50  }
0xcb: {  	[sflag:s14] =	ssyncset.done $0x0  }
0xcc: {  	[sflag:s14] =	ssyncadd.s32 $0xFFFFFFB0  }
0xcd: {  	_ =	swait.ge [sflag:s19], $0x2800  }
0xce: {  	[sflag:s19] =	ssyncset.done $0x0  }
0xcf: {  	[sflag:s19] =	ssyncadd.s32 $0xFFFFD800  }
0xd0: {  	[spmem:s3] =	stream.indirect.scatter.add.f32 [tilespmem:s17], [sflag:$0x3], $0x80, s24, s16, $0xb8;
	[tilespmem:$0x1FB78] =	vst v63  }
0xd1: {  	_ =	swait.ge [sflag:s14], $0x2800  }
0xd2: {  	[sflag:s14] =	ssyncset.done $0x0  }
0xd3: {  	s26 =	sadd.s32 $0x0, s8;
	[sflag:s14] =	ssyncadd.s32 $0xFFFFD800  }
0xd4: {  	[spmem:s4] =	stream.indirect.scatter.add.f32 [tilespmem:s20], [sflag:$0x3], $0x1, s24, s16, $0xb8;
	[tilespmem:$0x1FB78] =	vst v63  }
0xd5: {  	p0 =	sgt.u32 s26, $0x7C;
	_ =	swait.ge [sflag:s14], $0x50  }
0xd6: {  	s0 =	sshll.u32 @!p0 s2, $0x6;
	[sflag:s14] =	ssyncset.done $0x0  }
0xd7: {  	s5 =	sshrl.u32 @!p0 s10, $0x3;
	s6 =	simm.s32 @!p0 $0x4;
	[sflag:s14] =	ssyncadd.s32 $0xFFFFFFB0  }
0xd8: {  	s0 =	sor.u32 @!p0 $0x1C04, s0;
	p0 =	por p0, p0;
	[bflag:$0x0] =	sbarrier.arrive $0xFFFF  }
0xd9: {  	[hbm:s12], [sflag:s0] =	dma.local @!p0 [spmem:s5], $0x500  }
0xda: {  	_ =	swait.ge @!p0 [sflag:s6], $0x500  }
0xdb: {  	[sflag:s6] =	ssyncset.done @!p0 $0x0  }
0xdc: {  	s29 =	simm.s32 $0x2;
	s5 =	simm.s32 @!p0 $0xC000;
	[sflag:s6] =	ssyncadd.s32 @!p0 $0xFFFFFB00  }
0xdd: {  	[tilespmem:s5], [sflag:$0x4] =	stream.linear.gather @!p0 [spmem:s11], $0x50, $0x38;
	[tilespmem:$0x1FB78] =	vst v63  }
0xde: {  	s30 =	sadd.s32 $0x500, s12;
	s7 =	sadd.s32 $0x1, s8;
	_ =	swait.ge @!p0 [sflag:s6], $0x50  }
0xdf: {  	s31 =	sadd.s32 $0x2800, s10;
	p2 =	sgt.u32 s7, $0x7C;
	[sflag:s6] =	ssyncset.done @!p0 $0x0  }
0xe0: {  	s0 =	simm.s32 @!p0 $0x3;
	[sflag:s6] =	ssyncadd.s32 @!p0 $0xFFFFFFB0;
	s6 =	simm.s32 @!p0 $0x0  }
0xe1: {  	[hbm4b:s13+s6] =	stream.linear.scatter @!p0 [tilespmem:s5], [sflag:$0x3], $0x50, $0x38;
	[tilespmem:$0x1FB78] =	vst v63  }
0xe2: {  	s28 =	sadd.s32 $0x50, s11;
	s15 =	sshrl.u32 @!p2 s31, $0x3;
	_ =	swait.ge @!p0 [sflag:s0], $0x50  }
0xe3: {  	s26 =	sadd.s32 $0xA, s13;
	s5 =	sshll.u32 @!p2 s2, $0x6;
	[sflag:s0] =	ssyncset.done @!p0 $0x0  }
.LBB2_8:
0xe4: {  	s5 =	sor.u32 @!p2 $0x1C04, s5;
	s6 =	simm.s32 @!p2 $0x4;
	[sflag:s0] =	ssyncadd.s32 @!p0 $0xFFFFFFB0  }
0xe5: {  	s7 =	smov.u32 s29;
	s9 =	smov.u32 s26;
	p0 =	por p2, p2  }
0xe6: {  	[hbm:s30], [sflag:s5] =	dma.local @!p0 [spmem:s15], $0x500  }
0xe7: {  	s29 =	sadd.s32 $0x1, s29;
	_ =	swait.ge @!p0 [sflag:s6], $0x500  }
0xe8: {  	p1 =	sne.s32 s29, $0x8;
	[sflag:s6] =	ssyncset.done @!p0 $0x0  }
0xe9: {  	s26 =	sadd.s32 $0xA, s26;
	s5 =	simm.s32 @!p0 $0xC000;
	[sflag:s6] =	ssyncadd.s32 @!p0 $0xFFFFFB00  }
0xea: {  	[tilespmem:s5], [sflag:$0x4] =	stream.linear.gather @!p0 [spmem:s28], $0x50, $0x38;
	[tilespmem:$0x1FB78] =	vst v63  }
0xeb: {  	s30 =	sadd.s32 $0x500, s30;
	s28 =	sadd.s32 $0x50, s28;
	_ =	swait.ge @!p0 [sflag:s6], $0x50  }
.Ltmp3:
0xec: {  	s0 =	simm.s32 @!p0 $0x3;
	[sflag:s6] =	ssyncset.done @!p0 $0x0;
	(pc) =	sbr.rel @p1 .LBB2_8-.Ltmp3, $4  }
0xed: {  	s7 =	sadd.s32 s7, s8;
	[sflag:s6] =	ssyncadd.s32 @!p0 $0xFFFFFFB0;
	s6 =	simm.s32 @!p0 $0x0  }
0xee: {  	[hbm4b:s9+s6] =	stream.linear.scatter @!p0 [tilespmem:s5], [sflag:$0x3], $0x50, $0x38;
	[tilespmem:$0x1FB78] =	vst v63  }
0xef: {  	s31 =	sadd.s32 $0x2800, s31;
	p2 =	sgt.u32 s7, $0x7C;
	_ =	swait.ge @!p0 [sflag:s0], $0x50  }
0xf0: {  	s15 =	sshrl.u32 @!p2 s31, $0x3;
	s5 =	sshll.u32 @!p2 s2, $0x6;
	[sflag:s0] =	ssyncset.done @!p0 $0x0  }
0xf1: {  	s5 =	sor.u32 @!p2 $0x1C04, s5  }
0xf2: {  	s6 =	simm.s32 @!p2 $0x4;
	[sflag:s0] =	ssyncadd.s32 @!p0 $0xFFFFFFB0;
	p0 =	por p2, p2  }
0xf3: {  	[hbm:s30], [sflag:s5] =	dma.local @!p0 [spmem:s15], $0x500  }
0xf4: {  	_ =	swait.ge @!p0 [sflag:s6], $0x500  }
0xf5: {  	[sflag:s6] =	ssyncset.done @!p0 $0x0  }
0xf6: {  	s0 =	simm.s32 @!p0 $0xC000;
	[sflag:s6] =	ssyncadd.s32 @!p0 $0xFFFFFB00  }
0xf7: {  	[tilespmem:s0], [sflag:$0x4] =	stream.linear.gather @!p0 [spmem:s28], $0x50, $0x38;
	[tilespmem:$0x1FB78] =	vst v63  }
0xf8: {  	_ =	swait.ge @!p0 [sflag:s6], $0x50  }
0xf9: {  	[sflag:s6] =	ssyncset.done @!p0 $0x0  }
0xfa: {  	s5 =	simm.s32 @!p0 $0x3;
	[sflag:s6] =	ssyncadd.s32 @!p0 $0xFFFFFFB0;
	s6 =	simm.s32 @!p0 $0x0  }
0xfb: {  	[hbm4b:s26+s6] =	stream.linear.scatter @!p0 [tilespmem:s0], [sflag:$0x3], $0x50, $0x38;
	[tilespmem:$0x1FB78] =	vst v63  }
0xfc: {  	_ =	swait.ge @!p0 [sflag:s5], $0x50  }
0xfd: {  	s25 =	sadd.s32 $0x1, s25;
	s31 =	rddreg [dreg:$0x8]  }
0xfe: {  	p1 =	sne.s32 s25, s31  }
.Ltmp4:
0xff: {  	_ = 	snop;
	(pc) =	sbr.rel @p1 .LBB2_1-.Ltmp4, $3  }
0x100: {  	_ =	sdelay $0x1  }
0x101: {  	[sflag:s5] =	ssyncset.done @!p0 $0x0  }
0x102: {  	[sflag:s5] =	ssyncadd.s32 @!p0 $0xFFFFFFB0  }
0x103: {  	_ =	sfence.sel $0x180000  }
0x104: {  	[bflag:$0x0] =	sbarrier.arrive $0xFFFF  }
0x105: {  	_ =	strace $0x90000047  }
0x106: {  	[bflag:$0x2] =	sbarrier.arrive $0xFFFF  }
0x107: {  	p0 =	sne.s32 s2, $0x0;
	s0 =	rddreg [dreg:$0x5]  }
0x108: {  	s0 =	sadd.s32 @!p0 $0x100000, s0  }
0x109: {  	[sflag:s0] =	ssyncadd.tile.s32 @!p0 $0x1;
	_ =	shalt  }
.Lfunc_end2:
_tile_overlayer_lowered:
.L_overlay_start_2:
0x10a: {  	(tag) =	ssettag $0x2  }
0x10b: {  	s0 =	rddreg [dreg:$0x0];
	s2 =	stileid.u32  }
0x10c: {  	s1 =	rddreg [dreg:$0x1];
	p0 =	sne.s32 s2, $0x0  }
0x10d: {  	s3 =	rddreg [dreg:$0x2];
	[bflag:$0x3] =	sbarrier.arrive $0xFFFF;
	s2 =	simm.s32 @!p0 $0x1C03  }
0x10e: {  	[timem:s3], [sflag:s2] =	dma.local @!p0 [hbm:s0], s1  }
0x10f: {  	s0 =	simm.s32 @!p0 $0x3  }
0x110: {  	_ =	swait.ge @!p0 [sflag:s0], s1  }
0x111: {  	s1 =	ssub.s32 @!p0 $0x0, s1;
	[sflag:s0] =	ssyncset.done @!p0 $0x0  }
0x112: {  	[sflag:s0] =	ssyncadd.s32 @!p0 s1  }
0x113: {  	[bflag:$0x3] =	sbarrier.arrive $0xFFFF  }
0x114: {  	_ =	shalt  }

</sc_bundles>
